<compile_context>
chip_gen: v7x
topology: tpu7x:2x2x1
jax: 0.10.2.dev20260603
libtpu: 0.0.44.dev20260713+nightly
codegen_flags: <defaults>
</compile_context>

<pallas_src>
import functools

import jax
import jax.numpy as jnp
from jax import lax
from jax.experimental import pallas as pl
from jax.experimental.pallas import tpu as pltpu
from jax.experimental.pallas import tpu_sc as plsc

_B = 16384
_N = 1000
_L = 16

_info = plsc.get_sparse_core_info()
_NC = _info.num_cores
_NS = _info.num_subcores
_NW = _NC * _NS
_BPW = _B // _NW


_H = _BPW // 2


def _sc_body(u_hbm, v_hbm, tab_hbm, out_hbm, u_v, idx_v, val_v, sem_u, sem_v,
             sem_g0, sem_g1, sem_o):
    wid = lax.axis_index("s") * _NC + lax.axis_index("c")
    base = wid * _BPW

    cp_u = pltpu.async_copy(u_hbm.at[pl.ds(base, _BPW)], u_v, sem_u)
    cp_v = pltpu.async_copy(v_hbm.at[pl.ds(base, _BPW)], idx_v, sem_v)
    cp_u.wait()
    cp_v.wait()

    for i in range(_BPW // _L):
        s = pl.ds(i * _L, _L)
        idx_v[s] = u_v[s] * _N + idx_v[s]

    g0 = pltpu.async_copy(tab_hbm.at[idx_v.at[pl.ds(0, _H)]],
                          val_v.at[pl.ds(0, _H)], sem_g0)
    g1 = pltpu.async_copy(tab_hbm.at[idx_v.at[pl.ds(_H, _H)]],
                          val_v.at[pl.ds(_H, _H)], sem_g1)
    g0.wait()
    for i in range(_H // _L):
        s = pl.ds(i * _L, _L)
        x = val_v[s]
        val_v[s] = 1.0 / (1.0 + jnp.exp(-x))
    g1.wait()
    for i in range(_H // _L, _BPW // _L):
        s = pl.ds(i * _L, _L)
        x = val_v[s]
        val_v[s] = 1.0 / (1.0 + jnp.exp(-x))

    pltpu.async_copy(val_v, out_hbm.at[pl.ds(base, _BPW)], sem_o).wait()


_sc_call = functools.partial(
    pl.kernel,
    out_type=jax.ShapeDtypeStruct((_B,), jnp.float32),
    mesh=plsc.VectorSubcoreMesh(core_axis_name="c", subcore_axis_name="s"),
    scratch_types=[
        pltpu.VMEM((_BPW,), jnp.int32),
        pltpu.VMEM((_BPW,), jnp.int32),
        pltpu.VMEM((_BPW,), jnp.float32),
        pltpu.SemaphoreType.DMA,
        pltpu.SemaphoreType.DMA,
        pltpu.SemaphoreType.DMA,
        pltpu.SemaphoreType.DMA,
        pltpu.SemaphoreType.DMA,
    ],
)(_sc_body)


@jax.jit
def kernel(u, v, morphisms_logits):
    table = morphisms_logits.reshape(-1)
    return _sc_call(u.astype(jnp.int32), v.astype(jnp.int32), table)

# --- scband reference (transcript-rebuilt; emitter-appended) ---
"""Pipeline reference for scband-topos-yoneda-model-9783935500328 (READ-ONLY COPY).

The authoritative reference and input builder live on the scoring server;
editing this copy changes nothing except your own understanding.
"""

import jax, jax.numpy as jnp
import numpy as np


def setup_inputs(seed: int = 0) -> dict:
    key = jax.random.key(seed)
    k1, k2, k3 = jax.random.split(key, 3)
    u = jax.random.randint(k1, (16384,), 0, 1000, dtype=jnp.int64) if jax.config.jax_enable_x64 else jax.random.randint(k1, (16384,), 0, 1000, dtype=jnp.int32)
    v = jax.random.randint(k2, (16384,), 0, 1000, dtype=jnp.int32)
    morphisms_logits = jax.random.normal(k3, (1000, 1000), dtype=jnp.float32)
    return {"u": u, "v": v, "morphisms_logits": morphisms_logits}


def reference(u, v, morphisms_logits):
    # R = sigmoid(morphisms_logits); score = R[u, v]
    R = jax.nn.sigmoid(morphisms_logits)
    score = R[u, v]
    return score

if __name__ == "__main__":
    import jax
    _d = setup_inputs()
    print(jax.jit(kernel)(*tuple(_d.values())))

</pallas_src>

<mosaic_0001>
#map = affine_map<(d0, d1) -> (0)>
module attributes {stable_mosaic.version = 14 : i64} {
  func.func @_sc_body(%arg0: i32, %arg1: i32, %arg2: memref<16384xi32, #tpu.memory_space<hbm>>, %arg3: memref<16384xi32, #tpu.memory_space<hbm>>, %arg4: memref<1000000xf32, #tpu.memory_space<hbm>>, %arg5: memref<16384xf32, #tpu.memory_space<hbm>>, %arg6: memref<512xi32, #tpu.memory_space<vmem>>, %arg7: memref<512xi32, #tpu.memory_space<vmem>>, %arg8: memref<512xf32, #tpu.memory_space<vmem>>, %arg9: memref<!tpu.dma_semaphore, #tpu.memory_space<semaphore_mem>>, %arg10: memref<!tpu.dma_semaphore, #tpu.memory_space<semaphore_mem>>, %arg11: memref<!tpu.dma_semaphore, #tpu.memory_space<semaphore_mem>>, %arg12: memref<!tpu.dma_semaphore, #tpu.memory_space<semaphore_mem>>, %arg13: memref<!tpu.dma_semaphore, #tpu.memory_space<semaphore_mem>>) attributes {dimension_semantics = [#tpu.dimension_semantics<core_parallel>, #tpu.dimension_semantics<subcore_parallel>], iteration_bounds = array<i64: 2, 16>, scalar_prefetch = 0 : i64, scratch_operands = 8 : i64, tpu.core_type = #tpu.core_type<sc_vector_subcore>, window_params = [{transform_indices = #map}, {transform_indices = #map}, {transform_indices = #map}, {transform_indices = #map}]} {
    %mul3A = arith.constant 2 : i32
    %mul3A_0 = arith.muli %arg1, %mul3A : i32
    %add3A = arith.addi %mul3A_0, %arg0 : i32
    %mul3A_1 = arith.constant 512 : i32
    %mul3A_2 = arith.muli %add3A, %mul3A_1 : i32
    %dma_start3A = tpu.memref_slice %arg2[%mul3A_2] : memref<16384xi32, #tpu.memory_space<hbm>> -> memref<512xi32, #tpu.memory_space<hbm>>
    %dma_start3A_3 = tpu.memref_slice %arg2[%mul3A_2] : memref<16384xi32, #tpu.memory_space<hbm>> -> memref<512xi32, #tpu.memory_space<hbm>>
    tpu.enqueue_dma source(%dma_start3A_3 : memref<512xi32, #tpu.memory_space<hbm>>) target(%arg6 : memref<512xi32, #tpu.memory_space<vmem>>) target_semaphore(%arg9 : memref<!tpu.dma_semaphore, #tpu.memory_space<semaphore_mem>>)
    %dma_start3A_4 = tpu.memref_slice %arg3[%mul3A_2] : memref<16384xi32, #tpu.memory_space<hbm>> -> memref<512xi32, #tpu.memory_space<hbm>>
    %dma_start3A_5 = tpu.memref_slice %arg3[%mul3A_2] : memref<16384xi32, #tpu.memory_space<hbm>> -> memref<512xi32, #tpu.memory_space<hbm>>
    tpu.enqueue_dma source(%dma_start3A_5 : memref<512xi32, #tpu.memory_space<hbm>>) target(%arg7 : memref<512xi32, #tpu.memory_space<vmem>>) target_semaphore(%arg10 : memref<!tpu.dma_semaphore, #tpu.memory_space<semaphore_mem>>)
    %dma_wait3A = tpu.memref_slice %arg2[%mul3A_2] : memref<16384xi32, #tpu.memory_space<hbm>> -> memref<512xi32, #tpu.memory_space<hbm>>
    %dma_wait3A_6 = tpu.memref_slice %arg2[%mul3A_2] : memref<16384xi32, #tpu.memory_space<hbm>> -> memref<512xi32, #tpu.memory_space<hbm>>
    tpu.wait_dma2 semaphore(%arg9 : memref<!tpu.dma_semaphore, #tpu.memory_space<semaphore_mem>>) src(%dma_wait3A_6 : memref<512xi32, #tpu.memory_space<hbm>>) dst(%arg6 : memref<512xi32, #tpu.memory_space<vmem>>)
    %dma_wait3A_7 = tpu.memref_slice %arg3[%mul3A_2] : memref<16384xi32, #tpu.memory_space<hbm>> -> memref<512xi32, #tpu.memory_space<hbm>>
    %dma_wait3A_8 = tpu.memref_slice %arg3[%mul3A_2] : memref<16384xi32, #tpu.memory_space<hbm>> -> memref<512xi32, #tpu.memory_space<hbm>>
    tpu.wait_dma2 semaphore(%arg10 : memref<!tpu.dma_semaphore, #tpu.memory_space<semaphore_mem>>) src(%dma_wait3A_8 : memref<512xi32, #tpu.memory_space<hbm>>) dst(%arg7 : memref<512xi32, #tpu.memory_space<vmem>>)
    %get3A = arith.constant 0 : index
    %get3A_9 = tpu.vector_load %arg6[%get3A] {strides = array<i32>} : memref<512xi32, #tpu.memory_space<vmem>>, vector<16xi32>,
    %get3A_10 = vector.shape_cast %get3A_9 : vector<16xi32> to vector<16xi32>
    %mul3A_11 = arith.constant 1000 : i32
    %mul3A_12 = vector.broadcast %mul3A_11 : i32 to vector<16xi32>
    %mul3A_13 = arith.muli %get3A_10, %mul3A_12 : vector<16xi32>
    %get3A_14 = arith.constant 0 : index
    %get3A_15 = tpu.vector_load %arg7[%get3A_14] {strides = array<i32>} : memref<512xi32, #tpu.memory_space<vmem>>, vector<16xi32>,
    %get3A_16 = vector.shape_cast %get3A_15 : vector<16xi32> to vector<16xi32>
    %add3A_17 = arith.addi %mul3A_13, %get3A_16 : vector<16xi32>
    %swap3A = arith.constant 0 : index
    %swap3A_18 = tpu.vector_load %arg7[%swap3A] {strides = array<i32>} : memref<512xi32, #tpu.memory_space<vmem>>, vector<16xi32>,
    %swap3A_19 = vector.shape_cast %swap3A_18 : vector<16xi32> to vector<16xi32>
    %swap3A_20 = vector.shape_cast %add3A_17 : vector<16xi32> to vector<16xi32>
    tpu.vector_store %arg7[%swap3A], %swap3A_20 {strides = array<i32>} : memref<512xi32, #tpu.memory_space<vmem>>, vector<16xi32>,
    %get3A_21 = arith.constant 16 : index
    %get3A_22 = tpu.vector_load %arg6[%get3A_21] {strides = array<i32>} : memref<512xi32, #tpu.memory_space<vmem>>, vector<16xi32>,
    %get3A_23 = vector.shape_cast %get3A_22 : vector<16xi32> to vector<16xi32>
    %mul3A_24 = arith.constant 1000 : i32
    %mul3A_25 = vector.broadcast %mul3A_24 : i32 to vector<16xi32>
    %mul3A_26 = arith.muli %get3A_23, %mul3A_25 : vector<16xi32>
    %get3A_27 = arith.constant 16 : index
    %get3A_28 = tpu.vector_load %arg7[%get3A_27] {strides = array<i32>} : memref<512xi32, #tpu.memory_space<vmem>>, vector<16xi32>,
    %get3A_29 = vector.shape_cast %get3A_28 : vector<16xi32> to vector<16xi32>
    %add3A_30 = arith.addi %mul3A_26, %get3A_29 : vector<16xi32>
    %swap3A_31 = arith.constant 16 : index
    %swap3A_32 = tpu.vector_load %arg7[%swap3A_31] {strides = array<i32>} : memref<512xi32, #tpu.memory_space<vmem>>, vector<16xi32>,
    %swap3A_33 = vector.shape_cast %swap3A_32 : vector<16xi32> to vector<16xi32>
    %swap3A_34 = vector.shape_cast %add3A_30 : vector<16xi32> to vector<16xi32>
    tpu.vector_store %arg7[%swap3A_31], %swap3A_34 {strides = array<i32>} : memref<512xi32, #tpu.memory_space<vmem>>, vector<16xi32>,
    %get3A_35 = arith.constant 32 : index
    %get3A_36 = tpu.vector_load %arg6[%get3A_35] {strides = array<i32>} : memref<512xi32, #tpu.memory_space<vmem>>, vector<16xi32>,
    %get3A_37 = vector.shape_cast %get3A_36 : vector<16xi32> to vector<16xi32>
    %mul3A_38 = arith.constant 1000 : i32
    %mul3A_39 = vector.broadcast %mul3A_38 : i32 to vector<16xi32>
    %mul3A_40 = arith.muli %get3A_37, %mul3A_39 : vector<16xi32>
    %get3A_41 = arith.constant 32 : index
    %get3A_42 = tpu.vector_load %arg7[%get3A_41] {strides = array<i32>} : memref<512xi32, #tpu.memory_space<vmem>>, vector<16xi32>,
    %get3A_43 = vector.shape_cast %get3A_42 : vector<16xi32> to vector<16xi32>
    %add3A_44 = arith.addi %mul3A_40, %get3A_43 : vector<16xi32>
    %swap3A_45 = arith.constant 32 : index
    %swap3A_46 = tpu.vector_load %arg7[%swap3A_45] {strides = array<i32>} : memref<512xi32, #tpu.memory_space<vmem>>, vector<16xi32>,
    %swap3A_47 = vector.shape_cast %swap3A_46 : vector<16xi32> to vector<16xi32>
    %swap3A_48 = vector.shape_cast %add3A_44 : vector<16xi32> to vector<16xi32>
    tpu.vector_store %arg7[%swap3A_45], %swap3A_48 {strides = array<i32>} : memref<512xi32, #tpu.memory_space<vmem>>, vector<16xi32>,
    %get3A_49 = arith.constant 48 : index
    %get3A_50 = tpu.vector_load %arg6[%get3A_49] {strides = array<i32>} : memref<512xi32, #tpu.memory_space<vmem>>, vector<16xi32>,
    %get3A_51 = vector.shape_cast %get3A_50 : vector<16xi32> to vector<16xi32>
    %mul3A_52 = arith.constant 1000 : i32
    %mul3A_53 = vector.broadcast %mul3A_52 : i32 to vector<16xi32>
    %mul3A_54 = arith.muli %get3A_51, %mul3A_53 : vector<16xi32>
    %get3A_55 = arith.constant 48 : index
    %get3A_56 = tpu.vector_load %arg7[%get3A_55] {strides = array<i32>} : memref<512xi32, #tpu.memory_space<vmem>>, vector<16xi32>,
    %get3A_57 = vector.shape_cast %get3A_56 : vector<16xi32> to vector<16xi32>
    %add3A_58 = arith.addi %mul3A_54, %get3A_57 : vector<16xi32>
    %swap3A_59 = arith.constant 48 : index
    %swap3A_60 = tpu.vector_load %arg7[%swap3A_59] {strides = array<i32>} : memref<512xi32, #tpu.memory_space<vmem>>, vector<16xi32>,
    %swap3A_61 = vector.shape_cast %swap3A_60 : vector<16xi32> to vector<16xi32>
    %swap3A_62 = vector.shape_cast %add3A_58 : vector<16xi32> to vector<16xi32>
    tpu.vector_store %arg7[%swap3A_59], %swap3A_62 {strides = array<i32>} : memref<512xi32, #tpu.memory_space<vmem>>, vector<16xi32>,
    %get3A_63 = arith.constant 64 : index
    %get3A_64 = tpu.vector_load %arg6[%get3A_63] {strides = array<i32>} : memref<512xi32, #tpu.memory_space<vmem>>, vector<16xi32>,
    %get3A_65 = vector.shape_cast %get3A_64 : vector<16xi32> to vector<16xi32>
    %mul3A_66 = arith.constant 1000 : i32
    %mul3A_67 = vector.broadcast %mul3A_66 : i32 to vector<16xi32>
    %mul3A_68 = arith.muli %get3A_65, %mul3A_67 : vector<16xi32>
    %get3A_69 = arith.constant 64 : index
    %get3A_70 = tpu.vector_load %arg7[%get3A_69] {strides = array<i32>} : memref<512xi32, #tpu.memory_space<vmem>>, vector<16xi32>,
    %get3A_71 = vector.shape_cast %get3A_70 : vector<16xi32> to vector<16xi32>
    %add3A_72 = arith.addi %mul3A_68, %get3A_71 : vector<16xi32>
    %swap3A_73 = arith.constant 64 : index
    %swap3A_74 = tpu.vector_load %arg7[%swap3A_73] {strides = array<i32>} : memref<512xi32, #tpu.memory_space<vmem>>, vector<16xi32>,
    %swap3A_75 = vector.shape_cast %swap3A_74 : vector<16xi32> to vector<16xi32>
    %swap3A_76 = vector.shape_cast %add3A_72 : vector<16xi32> to vector<16xi32>
    tpu.vector_store %arg7[%swap3A_73], %swap3A_76 {strides = array<i32>} : memref<512xi32, #tpu.memory_space<vmem>>, vector<16xi32>,
    %get3A_77 = arith.constant 80 : index
    %get3A_78 = tpu.vector_load %arg6[%get3A_77] {strides = array<i32>} : memref<512xi32, #tpu.memory_space<vmem>>, vector<16xi32>,
    %get3A_79 = vector.shape_cast %get3A_78 : vector<16xi32> to vector<16xi32>
    %mul3A_80 = arith.constant 1000 : i32
    %mul3A_81 = vector.broadcast %mul3A_80 : i32 to vector<16xi32>
    %mul3A_82 = arith.muli %get3A_79, %mul3A_81 : vector<16xi32>
    %get3A_83 = arith.constant 80 : index
    %get3A_84 = tpu.vector_load %arg7[%get3A_83] {strides = array<i32>} : memref<512xi32, #tpu.memory_space<vmem>>, vector<16xi32>,
    %get3A_85 = vector.shape_cast %get3A_84 : vector<16xi32> to vector<16xi32>
    %add3A_86 = arith.addi %mul3A_82, %get3A_85 : vector<16xi32>
    %swap3A_87 = arith.constant 80 : index
    %swap3A_88 = tpu.vector_load %arg7[%swap3A_87] {strides = array<i32>} : memref<512xi32, #tpu.memory_space<vmem>>, vector<16xi32>,
    %swap3A_89 = vector.shape_cast %swap3A_88 : vector<16xi32> to vector<16xi32>
    %swap3A_90 = vector.shape_cast %add3A_86 : vector<16xi32> to vector<16xi32>
    tpu.vector_store %arg7[%swap3A_87], %swap3A_90 {strides = array<i32>} : memref<512xi32, #tpu.memory_space<vmem>>, vector<16xi32>,
    %get3A_91 = arith.constant 96 : index
    %get3A_92 = tpu.vector_load %arg6[%get3A_91] {strides = array<i32>} : memref<512xi32, #tpu.memory_space<vmem>>, vector<16xi32>,
    %get3A_93 = vector.shape_cast %get3A_92 : vector<16xi32> to vector<16xi32>
    %mul3A_94 = arith.constant 1000 : i32
    %mul3A_95 = vector.broadcast %mul3A_94 : i32 to vector<16xi32>
    %mul3A_96 = arith.muli %get3A_93, %mul3A_95 : vector<16xi32>
    %get3A_97 = arith.constant 96 : index
    %get3A_98 = tpu.vector_load %arg7[%get3A_97] {strides = array<i32>} : memref<512xi32, #tpu.memory_space<vmem>>, vector<16xi32>,
    %get3A_99 = vector.shape_cast %get3A_98 : vector<16xi32> to vector<16xi32>
    %add3A_100 = arith.addi %mul3A_96, %get3A_99 : vector<16xi32>
    %swap3A_101 = arith.constant 96 : index
    %swap3A_102 = tpu.vector_load %arg7[%swap3A_101] {strides = array<i32>} : memref<512xi32, #tpu.memory_space<vmem>>, vector<16xi32>,
    %swap3A_103 = vector.shape_cast %swap3A_102 : vector<16xi32> to vector<16xi32>
    %swap3A_104 = vector.shape_cast %add3A_100 : vector<16xi32> to vector<16xi32>
    tpu.vector_store %arg7[%swap3A_101], %swap3A_104 {strides = array<i32>} : memref<512xi32, #tpu.memory_space<vmem>>, vector<16xi32>,
    %get3A_105 = arith.constant 112 : index
    %get3A_106 = tpu.vector_load %arg6[%get3A_105] {strides = array<i32>} : memref<512xi32, #tpu.memory_space<vmem>>, vector<16xi32>,
    %get3A_107 = vector.shape_cast %get3A_106 : vector<16xi32> to vector<16xi32>
    %mul3A_108 = arith.constant 1000 : i32
    %mul3A_109 = vector.broadcast %mul3A_108 : i32 to vector<16xi32>
    %mul3A_110 = arith.muli %get3A_107, %mul3A_109 : vector<16xi32>
    %get3A_111 = arith.constant 112 : index
    %get3A_112 = tpu.vector_load %arg7[%get3A_111] {strides = array<i32>} : memref<512xi32, #tpu.memory_space<vmem>>, vector<16xi32>,
    %get3A_113 = vector.shape_cast %get3A_112 : vector<16xi32> to vector<16xi32>
    %add3A_114 = arith.addi %mul3A_110, %get3A_113 : vector<16xi32>
    %swap3A_115 = arith.constant 112 : index
    %swap3A_116 = tpu.vector_load %arg7[%swap3A_115] {strides = array<i32>} : memref<512xi32, #tpu.memory_space<vmem>>, vector<16xi32>,
    %swap3A_117 = vector.shape_cast %swap3A_116 : vector<16xi32> to vector<16xi32>
    %swap3A_118 = vector.shape_cast %add3A_114 : vector<16xi32> to vector<16xi32>
    tpu.vector_store %arg7[%swap3A_115], %swap3A_118 {strides = array<i32>} : memref<512xi32, #tpu.memory_space<vmem>>, vector<16xi32>,
    %get3A_119 = arith.constant 128 : index
    %get3A_120 = tpu.vector_load %arg6[%get3A_119] {strides = array<i32>} : memref<512xi32, #tpu.memory_space<vmem>>, vector<16xi32>,
    %get3A_121 = vector.shape_cast %get3A_120 : vector<16xi32> to vector<16xi32>
    %mul3A_122 = arith.constant 1000 : i32
    %mul3A_123 = vector.broadcast %mul3A_122 : i32 to vector<16xi32>
    %mul3A_124 = arith.muli %get3A_121, %mul3A_123 : vector<16xi32>
    %get3A_125 = arith.constant 128 : index
    %get3A_126 = tpu.vector_load %arg7[%get3A_125] {strides = array<i32>} : memref<512xi32, #tpu.memory_space<vmem>>, vector<16xi32>,
    %get3A_127 = vector.shape_cast %get3A_126 : vector<16xi32> to vector<16xi32>
    %add3A_128 = arith.addi %mul3A_124, %get3A_127 : vector<16xi32>
    %swap3A_129 = arith.constant 128 : index
    %swap3A_130 = tpu.vector_load %arg7[%swap3A_129] {strides = array<i32>} : memref<512xi32, #tpu.memory_space<vmem>>, vector<16xi32>,
    %swap3A_131 = vector.shape_cast %swap3A_130 : vector<16xi32> to vector<16xi32>
    %swap3A_132 = vector.shape_cast %add3A_128 : vector<16xi32> to vector<16xi32>
    tpu.vector_store %arg7[%swap3A_129], %swap3A_132 {strides = array<i32>} : memref<512xi32, #tpu.memory_space<vmem>>, vector<16xi32>,
    %get3A_133 = arith.constant 144 : index
    %get3A_134 = tpu.vector_load %arg6[%get3A_133] {strides = array<i32>} : memref<512xi32, #tpu.memory_space<vmem>>, vector<16xi32>,
    %get3A_135 = vector.shape_cast %get3A_134 : vector<16xi32> to vector<16xi32>
    %mul3A_136 = arith.constant 1000 : i32
    %mul3A_137 = vector.broadcast %mul3A_136 : i32 to vector<16xi32>
    %mul3A_138 = arith.muli %get3A_135, %mul3A_137 : vector<16xi32>
    %get3A_139 = arith.constant 144 : index
    %get3A_140 = tpu.vector_load %arg7[%get3A_139] {strides = array<i32>} : memref<512xi32, #tpu.memory_space<vmem>>, vector<16xi32>,
    %get3A_141 = vector.shape_cast %get3A_140 : vector<16xi32> to vector<16xi32>
    %add3A_142 = arith.addi %mul3A_138, %get3A_141 : vector<16xi32>
    %swap3A_143 = arith.constant 144 : index
    %swap3A_144 = tpu.vector_load %arg7[%swap3A_143] {strides = array<i32>} : memref<512xi32, #tpu.memory_space<vmem>>, vector<16xi32>,
    %swap3A_145 = vector.shape_cast %swap3A_144 : vector<16xi32> to vector<16xi32>
    %swap3A_146 = vector.shape_cast %add3A_142 : vector<16xi32> to vector<16xi32>
    tpu.vector_store %arg7[%swap3A_143], %swap3A_146 {strides = array<i32>} : memref<512xi32, #tpu.memory_space<vmem>>, vector<16xi32>,
    %get3A_147 = arith.constant 160 : index
    %get3A_148 = tpu.vector_load %arg6[%get3A_147] {strides = array<i32>} : memref<512xi32, #tpu.memory_space<vmem>>, vector<16xi32>,
    %get3A_149 = vector.shape_cast %get3A_148 : vector<16xi32> to vector<16xi32>
    %mul3A_150 = arith.constant 1000 : i32
    %mul3A_151 = vector.broadcast %mul3A_150 : i32 to vector<16xi32>
    %mul3A_152 = arith.muli %get3A_149, %mul3A_151 : vector<16xi32>
    %get3A_153 = arith.constant 160 : index
    %get3A_154 = tpu.vector_load %arg7[%get3A_153] {strides = array<i32>} : memref<512xi32, #tpu.memory_space<vmem>>, vector<16xi32>,
    %get3A_155 = vector.shape_cast %get3A_154 : vector<16xi32> to vector<16xi32>
    %add3A_156 = arith.addi %mul3A_152, %get3A_155 : vector<16xi32>
    %swap3A_157 = arith.constant 160 : index
    %swap3A_158 = tpu.vector_load %arg7[%swap3A_157] {strides = array<i32>} : memref<512xi32, #tpu.memory_space<vmem>>, vector<16xi32>,
    %swap3A_159 = vector.shape_cast %swap3A_158 : vector<16xi32> to vector<16xi32>
    %swap3A_160 = vector.shape_cast %add3A_156 : vector<16xi32> to vector<16xi32>
    tpu.vector_store %arg7[%swap3A_157], %swap3A_160 {strides = array<i32>} : memref<512xi32, #tpu.memory_space<vmem>>, vector<16xi32>,
    %get3A_161 = arith.constant 176 : index
    %get3A_162 = tpu.vector_load %arg6[%get3A_161] {strides = array<i32>} : memref<512xi32, #tpu.memory_space<vmem>>, vector<16xi32>,
    %get3A_163 = vector.shape_cast %get3A_162 : vector<16xi32> to vector<16xi32>
    %mul3A_164 = arith.constant 1000 : i32
    %mul3A_165 = vector.broadcast %mul3A_164 : i32 to vector<16xi32>
    %mul3A_166 = arith.muli %get3A_163, %mul3A_165 : vector<16xi32>
    %get3A_167 = arith.constant 176 : index
    %get3A_168 = tpu.vector_load %arg7[%get3A_167] {strides = array<i32>} : memref<512xi32, #tpu.memory_space<vmem>>, vector<16xi32>,
    %get3A_169 = vector.shape_cast %get3A_168 : vector<16xi32> to vector<16xi32>
    %add3A_170 = arith.addi %mul3A_166, %get3A_169 : vector<16xi32>
    %swap3A_171 = arith.constant 176 : index
    %swap3A_172 = tpu.vector_load %arg7[%swap3A_171] {strides = array<i32>} : memref<512xi32, #tpu.memory_space<vmem>>, vector<16xi32>,
    %swap3A_173 = vector.shape_cast %swap3A_172 : vector<16xi32> to vector<16xi32>
    %swap3A_174 = vector.shape_cast %add3A_170 : vector<16xi32> to vector<16xi32>
    tpu.vector_store %arg7[%swap3A_171], %swap3A_174 {strides = array<i32>} : memref<512xi32, #tpu.memory_space<vmem>>, vector<16xi32>,
    %get3A_175 = arith.constant 192 : index
    %get3A_176 = tpu.vector_load %arg6[%get3A_175] {strides = array<i32>} : memref<512xi32, #tpu.memory_space<vmem>>, vector<16xi32>,
    %get3A_177 = vector.shape_cast %get3A_176 : vector<16xi32> to vector<16xi32>
    %mul3A_178 = arith.constant 1000 : i32
    %mul3A_179 = vector.broadcast %mul3A_178 : i32 to vector<16xi32>
    %mul3A_180 = arith.muli %get3A_177, %mul3A_179 : vector<16xi32>
    %get3A_181 = arith.constant 192 : index
    %get3A_182 = tpu.vector_load %arg7[%get3A_181] {strides = array<i32>} : memref<512xi32, #tpu.memory_space<vmem>>, vector<16xi32>,
    %get3A_183 = vector.shape_cast %get3A_182 : vector<16xi32> to vector<16xi32>
    %add3A_184 = arith.addi %mul3A_180, %get3A_183 : vector<16xi32>
    %swap3A_185 = arith.constant 192 : index
    %swap3A_186 = tpu.vector_load %arg7[%swap3A_185] {strides = array<i32>} : memref<512xi32, #tpu.memory_space<vmem>>, vector<16xi32>,
    %swap3A_187 = vector.shape_cast %swap3A_186 : vector<16xi32> to vector<16xi32>
    %swap3A_188 = vector.shape_cast %add3A_184 : vector<16xi32> to vector<16xi32>
    tpu.vector_store %arg7[%swap3A_185], %swap3A_188 {strides = array<i32>} : memref<512xi32, #tpu.memory_space<vmem>>, vector<16xi32>,
    %get3A_189 = arith.constant 208 : index
    %get3A_190 = tpu.vector_load %arg6[%get3A_189] {strides = array<i32>} : memref<512xi32, #tpu.memory_space<vmem>>, vector<16xi32>,
    %get3A_191 = vector.shape_cast %get3A_190 : vector<16xi32> to vector<16xi32>
    %mul3A_192 = arith.constant 1000 : i32
    %mul3A_193 = vector.broadcast %mul3A_192 : i32 to vector<16xi32>
    %mul3A_194 = arith.muli %get3A_191, %mul3A_193 : vector<16xi32>
    %get3A_195 = arith.constant 208 : index
    %get3A_196 = tpu.vector_load %arg7[%get3A_195] {strides = array<i32>} : memref<512xi32, #tpu.memory_space<vmem>>, vector<16xi32>,
    %get3A_197 = vector.shape_cast %get3A_196 : vector<16xi32> to vector<16xi32>
    %add3A_198 = arith.addi %mul3A_194, %get3A_197 : vector<16xi32>
    %swap3A_199 = arith.constant 208 : index
    %swap3A_200 = tpu.vector_load %arg7[%swap3A_199] {strides = array<i32>} : memref<512xi32, #tpu.memory_space<vmem>>, vector<16xi32>,
    %swap3A_201 = vector.shape_cast %swap3A_200 : vector<16xi32> to vector<16xi32>
    %swap3A_202 = vector.shape_cast %add3A_198 : vector<16xi32> to vector<16xi32>
    tpu.vector_store %arg7[%swap3A_199], %swap3A_202 {strides = array<i32>} : memref<512xi32, #tpu.memory_space<vmem>>, vector<16xi32>,
    %get3A_203 = arith.constant 224 : index
    %get3A_204 = tpu.vector_load %arg6[%get3A_203] {strides = array<i32>} : memref<512xi32, #tpu.memory_space<vmem>>, vector<16xi32>,
    %get3A_205 = vector.shape_cast %get3A_204 : vector<16xi32> to vector<16xi32>
    %mul3A_206 = arith.constant 1000 : i32
    %mul3A_207 = vector.broadcast %mul3A_206 : i32 to vector<16xi32>
    %mul3A_208 = arith.muli %get3A_205, %mul3A_207 : vector<16xi32>
    %get3A_209 = arith.constant 224 : index
    %get3A_210 = tpu.vector_load %arg7[%get3A_209] {strides = array<i32>} : memref<512xi32, #tpu.memory_space<vmem>>, vector<16xi32>,
    %get3A_211 = vector.shape_cast %get3A_210 : vector<16xi32> to vector<16xi32>
    %add3A_212 = arith.addi %mul3A_208, %get3A_211 : vector<16xi32>
    %swap3A_213 = arith.constant 224 : index
    %swap3A_214 = tpu.vector_load %arg7[%swap3A_213] {strides = array<i32>} : memref<512xi32, #tpu.memory_space<vmem>>, vector<16xi32>,
    %swap3A_215 = vector.shape_cast %swap3A_214 : vector<16xi32> to vector<16xi32>
    %swap3A_216 = vector.shape_cast %add3A_212 : vector<16xi32> to vector<16xi32>
    tpu.vector_store %arg7[%swap3A_213], %swap3A_216 {strides = array<i32>} : memref<512xi32, #tpu.memory_space<vmem>>, vector<16xi32>,
    %get3A_217 = arith.constant 240 : index
    %get3A_218 = tpu.vector_load %arg6[%get3A_217] {strides = array<i32>} : memref<512xi32, #tpu.memory_space<vmem>>, vector<16xi32>,
    %get3A_219 = vector.shape_cast %get3A_218 : vector<16xi32> to vector<16xi32>
    %mul3A_220 = arith.constant 1000 : i32
    %mul3A_221 = vector.broadcast %mul3A_220 : i32 to vector<16xi32>
    %mul3A_222 = arith.muli %get3A_219, %mul3A_221 : vector<16xi32>
    %get3A_223 = arith.constant 240 : index
    %get3A_224 = tpu.vector_load %arg7[%get3A_223] {strides = array<i32>} : memref<512xi32, #tpu.memory_space<vmem>>, vector<16xi32>,
    %get3A_225 = vector.shape_cast %get3A_224 : vector<16xi32> to vector<16xi32>
    %add3A_226 = arith.addi %mul3A_222, %get3A_225 : vector<16xi32>
    %swap3A_227 = arith.constant 240 : index
    %swap3A_228 = tpu.vector_load %arg7[%swap3A_227] {strides = array<i32>} : memref<512xi32, #tpu.memory_space<vmem>>, vector<16xi32>,
    %swap3A_229 = vector.shape_cast %swap3A_228 : vector<16xi32> to vector<16xi32>
    %swap3A_230 = vector.shape_cast %add3A_226 : vector<16xi32> to vector<16xi32>
    tpu.vector_store %arg7[%swap3A_227], %swap3A_230 {strides = array<i32>} : memref<512xi32, #tpu.memory_space<vmem>>, vector<16xi32>,
    %get3A_231 = arith.constant 256 : index
    %get3A_232 = tpu.vector_load %arg6[%get3A_231] {strides = array<i32>} : memref<512xi32, #tpu.memory_space<vmem>>, vector<16xi32>,
    %get3A_233 = vector.shape_cast %get3A_232 : vector<16xi32> to vector<16xi32>
    %mul3A_234 = arith.constant 1000 : i32
    %mul3A_235 = vector.broadcast %mul3A_234 : i32 to vector<16xi32>
    %mul3A_236 = arith.muli %get3A_233, %mul3A_235 : vector<16xi32>
    %get3A_237 = arith.constant 256 : index
    %get3A_238 = tpu.vector_load %arg7[%get3A_237] {strides = array<i32>} : memref<512xi32, #tpu.memory_space<vmem>>, vector<16xi32>,
    %get3A_239 = vector.shape_cast %get3A_238 : vector<16xi32> to vector<16xi32>
    %add3A_240 = arith.addi %mul3A_236, %get3A_239 : vector<16xi32>
    %swap3A_241 = arith.constant 256 : index
    %swap3A_242 = tpu.vector_load %arg7[%swap3A_241] {strides = array<i32>} : memref<512xi32, #tpu.memory_space<vmem>>, vector<16xi32>,
    %swap3A_243 = vector.shape_cast %swap3A_242 : vector<16xi32> to vector<16xi32>
    %swap3A_244 = vector.shape_cast %add3A_240 : vector<16xi32> to vector<16xi32>
    tpu.vector_store %arg7[%swap3A_241], %swap3A_244 {strides = array<i32>} : memref<512xi32, #tpu.memory_space<vmem>>, vector<16xi32>,
    %get3A_245 = arith.constant 272 : index
    %get3A_246 = tpu.vector_load %arg6[%get3A_245] {strides = array<i32>} : memref<512xi32, #tpu.memory_space<vmem>>, vector<16xi32>,
    %get3A_247 = vector.shape_cast %get3A_246 : vector<16xi32> to vector<16xi32>
    %mul3A_248 = arith.constant 1000 : i32
    %mul3A_249 = vector.broadcast %mul3A_248 : i32 to vector<16xi32>
    %mul3A_250 = arith.muli %get3A_247, %mul3A_249 : vector<16xi32>
    %get3A_251 = arith.constant 272 : index
    %get3A_252 = tpu.vector_load %arg7[%get3A_251] {strides = array<i32>} : memref<512xi32, #tpu.memory_space<vmem>>, vector<16xi32>,
    %get3A_253 = vector.shape_cast %get3A_252 : vector<16xi32> to vector<16xi32>
    %add3A_254 = arith.addi %mul3A_250, %get3A_253 : vector<16xi32>
    %swap3A_255 = arith.constant 272 : index
    %swap3A_256 = tpu.vector_load %arg7[%swap3A_255] {strides = array<i32>} : memref<512xi32, #tpu.memory_space<vmem>>, vector<16xi32>,
    %swap3A_257 = vector.shape_cast %swap3A_256 : vector<16xi32> to vector<16xi32>
    %swap3A_258 = vector.shape_cast %add3A_254 : vector<16xi32> to vector<16xi32>
    tpu.vector_store %arg7[%swap3A_255], %swap3A_258 {strides = array<i32>} : memref<512xi32, #tpu.memory_space<vmem>>, vector<16xi32>,
    %get3A_259 = arith.constant 288 : index
    %get3A_260 = tpu.vector_load %arg6[%get3A_259] {strides = array<i32>} : memref<512xi32, #tpu.memory_space<vmem>>, vector<16xi32>,
    %get3A_261 = vector.shape_cast %get3A_260 : vector<16xi32> to vector<16xi32>
    %mul3A_262 = arith.constant 1000 : i32
    %mul3A_263 = vector.broadcast %mul3A_262 : i32 to vector<16xi32>
    %mul3A_264 = arith.muli %get3A_261, %mul3A_263 : vector<16xi32>
    %get3A_265 = arith.constant 288 : index
    %get3A_266 = tpu.vector_load %arg7[%get3A_265] {strides = array<i32>} : memref<512xi32, #tpu.memory_space<vmem>>, vector<16xi32>,
    %get3A_267 = vector.shape_cast %get3A_266 : vector<16xi32> to vector<16xi32>
    %add3A_268 = arith.addi %mul3A_264, %get3A_267 : vector<16xi32>
    %swap3A_269 = arith.constant 288 : index
    %swap3A_270 = tpu.vector_load %arg7[%swap3A_269] {strides = array<i32>} : memref<512xi32, #tpu.memory_space<vmem>>, vector<16xi32>,
    %swap3A_271 = vector.shape_cast %swap3A_270 : vector<16xi32> to vector<16xi32>
    %swap3A_272 = vector.shape_cast %add3A_268 : vector<16xi32> to vector<16xi32>
    tpu.vector_store %arg7[%swap3A_269], %swap3A_272 {strides = array<i32>} : memref<512xi32, #tpu.memory_space<vmem>>, vector<16xi32>,
    %get3A_273 = arith.constant 304 : index
    %get3A_274 = tpu.vector_load %arg6[%get3A_273] {strides = array<i32>} : memref<512xi32, #tpu.memory_space<vmem>>, vector<16xi32>,
    %get3A_275 = vector.shape_cast %get3A_274 : vector<16xi32> to vector<16xi32>
    %mul3A_276 = arith.constant 1000 : i32
    %mul3A_277 = vector.broadcast %mul3A_276 : i32 to vector<16xi32>
    %mul3A_278 = arith.muli %get3A_275, %mul3A_277 : vector<16xi32>
    %get3A_279 = arith.constant 304 : index
    %get3A_280 = tpu.vector_load %arg7[%get3A_279] {strides = array<i32>} : memref<512xi32, #tpu.memory_space<vmem>>, vector<16xi32>,
    %get3A_281 = vector.shape_cast %get3A_280 : vector<16xi32> to vector<16xi32>
    %add3A_282 = arith.addi %mul3A_278, %get3A_281 : vector<16xi32>
    %swap3A_283 = arith.constant 304 : index
    %swap3A_284 = tpu.vector_load %arg7[%swap3A_283] {strides = array<i32>} : memref<512xi32, #tpu.memory_space<vmem>>, vector<16xi32>,
    %swap3A_285 = vector.shape_cast %swap3A_284 : vector<16xi32> to vector<16xi32>
    %swap3A_286 = vector.shape_cast %add3A_282 : vector<16xi32> to vector<16xi32>
    tpu.vector_store %arg7[%swap3A_283], %swap3A_286 {strides = array<i32>} : memref<512xi32, #tpu.memory_space<vmem>>, vector<16xi32>,
    %get3A_287 = arith.constant 320 : index
    %get3A_288 = tpu.vector_load %arg6[%get3A_287] {strides = array<i32>} : memref<512xi32, #tpu.memory_space<vmem>>, vector<16xi32>,
    %get3A_289 = vector.shape_cast %get3A_288 : vector<16xi32> to vector<16xi32>
    %mul3A_290 = arith.constant 1000 : i32
    %mul3A_291 = vector.broadcast %mul3A_290 : i32 to vector<16xi32>
    %mul3A_292 = arith.muli %get3A_289, %mul3A_291 : vector<16xi32>
    %get3A_293 = arith.constant 320 : index
    %get3A_294 = tpu.vector_load %arg7[%get3A_293] {strides = array<i32>} : memref<512xi32, #tpu.memory_space<vmem>>, vector<16xi32>,
    %get3A_295 = vector.shape_cast %get3A_294 : vector<16xi32> to vector<16xi32>
    %add3A_296 = arith.addi %mul3A_292, %get3A_295 : vector<16xi32>
    %swap3A_297 = arith.constant 320 : index
    %swap3A_298 = tpu.vector_load %arg7[%swap3A_297] {strides = array<i32>} : memref<512xi32, #tpu.memory_space<vmem>>, vector<16xi32>,
    %swap3A_299 = vector.shape_cast %swap3A_298 : vector<16xi32> to vector<16xi32>
    %swap3A_300 = vector.shape_cast %add3A_296 : vector<16xi32> to vector<16xi32>
    tpu.vector_store %arg7[%swap3A_297], %swap3A_300 {strides = array<i32>} : memref<512xi32, #tpu.memory_space<vmem>>, vector<16xi32>,
    %get3A_301 = arith.constant 336 : index
    %get3A_302 = tpu.vector_load %arg6[%get3A_301] {strides = array<i32>} : memref<512xi32, #tpu.memory_space<vmem>>, vector<16xi32>,
    %get3A_303 = vector.shape_cast %get3A_302 : vector<16xi32> to vector<16xi32>
    %mul3A_304 = arith.constant 1000 : i32
    %mul3A_305 = vector.broadcast %mul3A_304 : i32 to vector<16xi32>
    %mul3A_306 = arith.muli %get3A_303, %mul3A_305 : vector<16xi32>
    %get3A_307 = arith.constant 336 : index
    %get3A_308 = tpu.vector_load %arg7[%get3A_307] {strides = array<i32>} : memref<512xi32, #tpu.memory_space<vmem>>, vector<16xi32>,
    %get3A_309 = vector.shape_cast %get3A_308 : vector<16xi32> to vector<16xi32>
    %add3A_310 = arith.addi %mul3A_306, %get3A_309 : vector<16xi32>
    %swap3A_311 = arith.constant 336 : index
    %swap3A_312 = tpu.vector_load %arg7[%swap3A_311] {strides = array<i32>} : memref<512xi32, #tpu.memory_space<vmem>>, vector<16xi32>,
    %swap3A_313 = vector.shape_cast %swap3A_312 : vector<16xi32> to vector<16xi32>
    %swap3A_314 = vector.shape_cast %add3A_310 : vector<16xi32> to vector<16xi32>
    tpu.vector_store %arg7[%swap3A_311], %swap3A_314 {strides = array<i32>} : memref<512xi32, #tpu.memory_space<vmem>>, vector<16xi32>,
    %get3A_315 = arith.constant 352 : index
    %get3A_316 = tpu.vector_load %arg6[%get3A_315] {strides = array<i32>} : memref<512xi32, #tpu.memory_space<vmem>>, vector<16xi32>,
    %get3A_317 = vector.shape_cast %get3A_316 : vector<16xi32> to vector<16xi32>
    %mul3A_318 = arith.constant 1000 : i32
    %mul3A_319 = vector.broadcast %mul3A_318 : i32 to vector<16xi32>
    %mul3A_320 = arith.muli %get3A_317, %mul3A_319 : vector<16xi32>
    %get3A_321 = arith.constant 352 : index
    %get3A_322 = tpu.vector_load %arg7[%get3A_321] {strides = array<i32>} : memref<512xi32, #tpu.memory_space<vmem>>, vector<16xi32>,
    %get3A_323 = vector.shape_cast %get3A_322 : vector<16xi32> to vector<16xi32>
    %add3A_324 = arith.addi %mul3A_320, %get3A_323 : vector<16xi32>
    %swap3A_325 = arith.constant 352 : index
    %swap3A_326 = tpu.vector_load %arg7[%swap3A_325] {strides = array<i32>} : memref<512xi32, #tpu.memory_space<vmem>>, vector<16xi32>,
    %swap3A_327 = vector.shape_cast %swap3A_326 : vector<16xi32> to vector<16xi32>
    %swap3A_328 = vector.shape_cast %add3A_324 : vector<16xi32> to vector<16xi32>
    tpu.vector_store %arg7[%swap3A_325], %swap3A_328 {strides = array<i32>} : memref<512xi32, #tpu.memory_space<vmem>>, vector<16xi32>,
    %get3A_329 = arith.constant 368 : index
    %get3A_330 = tpu.vector_load %arg6[%get3A_329] {strides = array<i32>} : memref<512xi32, #tpu.memory_space<vmem>>, vector<16xi32>,
    %get3A_331 = vector.shape_cast %get3A_330 : vector<16xi32> to vector<16xi32>
    %mul3A_332 = arith.constant 1000 : i32
    %mul3A_333 = vector.broadcast %mul3A_332 : i32 to vector<16xi32>
    %mul3A_334 = arith.muli %get3A_331, %mul3A_333 : vector<16xi32>
    %get3A_335 = arith.constant 368 : index
    %get3A_336 = tpu.vector_load %arg7[%get3A_335] {strides = array<i32>} : memref<512xi32, #tpu.memory_space<vmem>>, vector<16xi32>,
    %get3A_337 = vector.shape_cast %get3A_336 : vector<16xi32> to vector<16xi32>
    %add3A_338 = arith.addi %mul3A_334, %get3A_337 : vector<16xi32>
    %swap3A_339 = arith.constant 368 : index
    %swap3A_340 = tpu.vector_load %arg7[%swap3A_339] {strides = array<i32>} : memref<512xi32, #tpu.memory_space<vmem>>, vector<16xi32>,
    %swap3A_341 = vector.shape_cast %swap3A_340 : vector<16xi32> to vector<16xi32>
    %swap3A_342 = vector.shape_cast %add3A_338 : vector<16xi32> to vector<16xi32>
    tpu.vector_store %arg7[%swap3A_339], %swap3A_342 {strides = array<i32>} : memref<512xi32, #tpu.memory_space<vmem>>, vector<16xi32>,
    %get3A_343 = arith.constant 384 : index
    %get3A_344 = tpu.vector_load %arg6[%get3A_343] {strides = array<i32>} : memref<512xi32, #tpu.memory_space<vmem>>, vector<16xi32>,
    %get3A_345 = vector.shape_cast %get3A_344 : vector<16xi32> to vector<16xi32>
    %mul3A_346 = arith.constant 1000 : i32
    %mul3A_347 = vector.broadcast %mul3A_346 : i32 to vector<16xi32>
    %mul3A_348 = arith.muli %get3A_345, %mul3A_347 : vector<16xi32>
    %get3A_349 = arith.constant 384 : index
    %get3A_350 = tpu.vector_load %arg7[%get3A_349] {strides = array<i32>} : memref<512xi32, #tpu.memory_space<vmem>>, vector<16xi32>,
    %get3A_351 = vector.shape_cast %get3A_350 : vector<16xi32> to vector<16xi32>
    %add3A_352 = arith.addi %mul3A_348, %get3A_351 : vector<16xi32>
    %swap3A_353 = arith.constant 384 : index
    %swap3A_354 = tpu.vector_load %arg7[%swap3A_353] {strides = array<i32>} : memref<512xi32, #tpu.memory_space<vmem>>, vector<16xi32>,
    %swap3A_355 = vector.shape_cast %swap3A_354 : vector<16xi32> to vector<16xi32>
    %swap3A_356 = vector.shape_cast %add3A_352 : vector<16xi32> to vector<16xi32>
    tpu.vector_store %arg7[%swap3A_353], %swap3A_356 {strides = array<i32>} : memref<512xi32, #tpu.memory_space<vmem>>, vector<16xi32>,
    %get3A_357 = arith.constant 400 : index
    %get3A_358 = tpu.vector_load %arg6[%get3A_357] {strides = array<i32>} : memref<512xi32, #tpu.memory_space<vmem>>, vector<16xi32>,
    %get3A_359 = vector.shape_cast %get3A_358 : vector<16xi32> to vector<16xi32>
    %mul3A_360 = arith.constant 1000 : i32
    %mul3A_361 = vector.broadcast %mul3A_360 : i32 to vector<16xi32>
    %mul3A_362 = arith.muli %get3A_359, %mul3A_361 : vector<16xi32>
    %get3A_363 = arith.constant 400 : index
    %get3A_364 = tpu.vector_load %arg7[%get3A_363] {strides = array<i32>} : memref<512xi32, #tpu.memory_space<vmem>>, vector<16xi32>,
    %get3A_365 = vector.shape_cast %get3A_364 : vector<16xi32> to vector<16xi32>
    %add3A_366 = arith.addi %mul3A_362, %get3A_365 : vector<16xi32>
    %swap3A_367 = arith.constant 400 : index
    %swap3A_368 = tpu.vector_load %arg7[%swap3A_367] {strides = array<i32>} : memref<512xi32, #tpu.memory_space<vmem>>, vector<16xi32>,
    %swap3A_369 = vector.shape_cast %swap3A_368 : vector<16xi32> to vector<16xi32>
    %swap3A_370 = vector.shape_cast %add3A_366 : vector<16xi32> to vector<16xi32>
    tpu.vector_store %arg7[%swap3A_367], %swap3A_370 {strides = array<i32>} : memref<512xi32, #tpu.memory_space<vmem>>, vector<16xi32>,
    %get3A_371 = arith.constant 416 : index
    %get3A_372 = tpu.vector_load %arg6[%get3A_371] {strides = array<i32>} : memref<512xi32, #tpu.memory_space<vmem>>, vector<16xi32>,
    %get3A_373 = vector.shape_cast %get3A_372 : vector<16xi32> to vector<16xi32>
    %mul3A_374 = arith.constant 1000 : i32
    %mul3A_375 = vector.broadcast %mul3A_374 : i32 to vector<16xi32>
    %mul3A_376 = arith.muli %get3A_373, %mul3A_375 : vector<16xi32>
    %get3A_377 = arith.constant 416 : index
    %get3A_378 = tpu.vector_load %arg7[%get3A_377] {strides = array<i32>} : memref<512xi32, #tpu.memory_space<vmem>>, vector<16xi32>,
    %get3A_379 = vector.shape_cast %get3A_378 : vector<16xi32> to vector<16xi32>
    %add3A_380 = arith.addi %mul3A_376, %get3A_379 : vector<16xi32>
    %swap3A_381 = arith.constant 416 : index
    %swap3A_382 = tpu.vector_load %arg7[%swap3A_381] {strides = array<i32>} : memref<512xi32, #tpu.memory_space<vmem>>, vector<16xi32>,
    %swap3A_383 = vector.shape_cast %swap3A_382 : vector<16xi32> to vector<16xi32>
    %swap3A_384 = vector.shape_cast %add3A_380 : vector<16xi32> to vector<16xi32>
    tpu.vector_store %arg7[%swap3A_381], %swap3A_384 {strides = array<i32>} : memref<512xi32, #tpu.memory_space<vmem>>, vector<16xi32>,
    %get3A_385 = arith.constant 432 : index
    %get3A_386 = tpu.vector_load %arg6[%get3A_385] {strides = array<i32>} : memref<512xi32, #tpu.memory_space<vmem>>, vector<16xi32>,
    %get3A_387 = vector.shape_cast %get3A_386 : vector<16xi32> to vector<16xi32>
    %mul3A_388 = arith.constant 1000 : i32
    %mul3A_389 = vector.broadcast %mul3A_388 : i32 to vector<16xi32>
    %mul3A_390 = arith.muli %get3A_387, %mul3A_389 : vector<16xi32>
    %get3A_391 = arith.constant 432 : index
    %get3A_392 = tpu.vector_load %arg7[%get3A_391] {strides = array<i32>} : memref<512xi32, #tpu.memory_space<vmem>>, vector<16xi32>,
    %get3A_393 = vector.shape_cast %get3A_392 : vector<16xi32> to vector<16xi32>
    %add3A_394 = arith.addi %mul3A_390, %get3A_393 : vector<16xi32>
    %swap3A_395 = arith.constant 432 : index
    %swap3A_396 = tpu.vector_load %arg7[%swap3A_395] {strides = array<i32>} : memref<512xi32, #tpu.memory_space<vmem>>, vector<16xi32>,
    %swap3A_397 = vector.shape_cast %swap3A_396 : vector<16xi32> to vector<16xi32>
    %swap3A_398 = vector.shape_cast %add3A_394 : vector<16xi32> to vector<16xi32>
    tpu.vector_store %arg7[%swap3A_395], %swap3A_398 {strides = array<i32>} : memref<512xi32, #tpu.memory_space<vmem>>, vector<16xi32>,
    %get3A_399 = arith.constant 448 : index
    %get3A_400 = tpu.vector_load %arg6[%get3A_399] {strides = array<i32>} : memref<512xi32, #tpu.memory_space<vmem>>, vector<16xi32>,
    %get3A_401 = vector.shape_cast %get3A_400 : vector<16xi32> to vector<16xi32>
    %mul3A_402 = arith.constant 1000 : i32
    %mul3A_403 = vector.broadcast %mul3A_402 : i32 to vector<16xi32>
    %mul3A_404 = arith.muli %get3A_401, %mul3A_403 : vector<16xi32>
    %get3A_405 = arith.constant 448 : index
    %get3A_406 = tpu.vector_load %arg7[%get3A_405] {strides = array<i32>} : memref<512xi32, #tpu.memory_space<vmem>>, vector<16xi32>,
    %get3A_407 = vector.shape_cast %get3A_406 : vector<16xi32> to vector<16xi32>
    %add3A_408 = arith.addi %mul3A_404, %get3A_407 : vector<16xi32>
    %swap3A_409 = arith.constant 448 : index
    %swap3A_410 = tpu.vector_load %arg7[%swap3A_409] {strides = array<i32>} : memref<512xi32, #tpu.memory_space<vmem>>, vector<16xi32>,
    %swap3A_411 = vector.shape_cast %swap3A_410 : vector<16xi32> to vector<16xi32>
    %swap3A_412 = vector.shape_cast %add3A_408 : vector<16xi32> to vector<16xi32>
    tpu.vector_store %arg7[%swap3A_409], %swap3A_412 {strides = array<i32>} : memref<512xi32, #tpu.memory_space<vmem>>, vector<16xi32>,
    %get3A_413 = arith.constant 464 : index
    %get3A_414 = tpu.vector_load %arg6[%get3A_413] {strides = array<i32>} : memref<512xi32, #tpu.memory_space<vmem>>, vector<16xi32>,
    %get3A_415 = vector.shape_cast %get3A_414 : vector<16xi32> to vector<16xi32>
    %mul3A_416 = arith.constant 1000 : i32
    %mul3A_417 = vector.broadcast %mul3A_416 : i32 to vector<16xi32>
    %mul3A_418 = arith.muli %get3A_415, %mul3A_417 : vector<16xi32>
    %get3A_419 = arith.constant 464 : index
    %get3A_420 = tpu.vector_load %arg7[%get3A_419] {strides = array<i32>} : memref<512xi32, #tpu.memory_space<vmem>>, vector<16xi32>,
    %get3A_421 = vector.shape_cast %get3A_420 : vector<16xi32> to vector<16xi32>
    %add3A_422 = arith.addi %mul3A_418, %get3A_421 : vector<16xi32>
    %swap3A_423 = arith.constant 464 : index
    %swap3A_424 = tpu.vector_load %arg7[%swap3A_423] {strides = array<i32>} : memref<512xi32, #tpu.memory_space<vmem>>, vector<16xi32>,
    %swap3A_425 = vector.shape_cast %swap3A_424 : vector<16xi32> to vector<16xi32>
    %swap3A_426 = vector.shape_cast %add3A_422 : vector<16xi32> to vector<16xi32>
    tpu.vector_store %arg7[%swap3A_423], %swap3A_426 {strides = array<i32>} : memref<512xi32, #tpu.memory_space<vmem>>, vector<16xi32>,
    %get3A_427 = arith.constant 480 : index
    %get3A_428 = tpu.vector_load %arg6[%get3A_427] {strides = array<i32>} : memref<512xi32, #tpu.memory_space<vmem>>, vector<16xi32>,
    %get3A_429 = vector.shape_cast %get3A_428 : vector<16xi32> to vector<16xi32>
    %mul3A_430 = arith.constant 1000 : i32
    %mul3A_431 = vector.broadcast %mul3A_430 : i32 to vector<16xi32>
    %mul3A_432 = arith.muli %get3A_429, %mul3A_431 : vector<16xi32>
    %get3A_433 = arith.constant 480 : index
    %get3A_434 = tpu.vector_load %arg7[%get3A_433] {strides = array<i32>} : memref<512xi32, #tpu.memory_space<vmem>>, vector<16xi32>,
    %get3A_435 = vector.shape_cast %get3A_434 : vector<16xi32> to vector<16xi32>
    %add3A_436 = arith.addi %mul3A_432, %get3A_435 : vector<16xi32>
    %swap3A_437 = arith.constant 480 : index
    %swap3A_438 = tpu.vector_load %arg7[%swap3A_437] {strides = array<i32>} : memref<512xi32, #tpu.memory_space<vmem>>, vector<16xi32>,
    %swap3A_439 = vector.shape_cast %swap3A_438 : vector<16xi32> to vector<16xi32>
    %swap3A_440 = vector.shape_cast %add3A_436 : vector<16xi32> to vector<16xi32>
    tpu.vector_store %arg7[%swap3A_437], %swap3A_440 {strides = array<i32>} : memref<512xi32, #tpu.memory_space<vmem>>, vector<16xi32>,
    %get3A_441 = arith.constant 496 : index
    %get3A_442 = tpu.vector_load %arg6[%get3A_441] {strides = array<i32>} : memref<512xi32, #tpu.memory_space<vmem>>, vector<16xi32>,
    %get3A_443 = vector.shape_cast %get3A_442 : vector<16xi32> to vector<16xi32>
    %mul3A_444 = arith.constant 1000 : i32
    %mul3A_445 = vector.broadcast %mul3A_444 : i32 to vector<16xi32>
    %mul3A_446 = arith.muli %get3A_443, %mul3A_445 : vector<16xi32>
    %get3A_447 = arith.constant 496 : index
    %get3A_448 = tpu.vector_load %arg7[%get3A_447] {strides = array<i32>} : memref<512xi32, #tpu.memory_space<vmem>>, vector<16xi32>,
    %get3A_449 = vector.shape_cast %get3A_448 : vector<16xi32> to vector<16xi32>
    %add3A_450 = arith.addi %mul3A_446, %get3A_449 : vector<16xi32>
    %swap3A_451 = arith.constant 496 : index
    %swap3A_452 = tpu.vector_load %arg7[%swap3A_451] {strides = array<i32>} : memref<512xi32, #tpu.memory_space<vmem>>, vector<16xi32>,
    %swap3A_453 = vector.shape_cast %swap3A_452 : vector<16xi32> to vector<16xi32>
    %swap3A_454 = vector.shape_cast %add3A_450 : vector<16xi32> to vector<16xi32>
    tpu.vector_store %arg7[%swap3A_451], %swap3A_454 {strides = array<i32>} : memref<512xi32, #tpu.memory_space<vmem>>, vector<16xi32>,
    %dma_start3A_455 = arith.constant 0 : i32
    %dma_start3A_456 = tpu.memref_slice %arg8[%dma_start3A_455] : memref<512xf32, #tpu.memory_space<vmem>> -> memref<256xf32, #tpu.memory_space<vmem>>
    %dma_start3A_457 = arith.constant 0 : i32
    %dma_start3A_458 = tpu.memref_slice %arg7[%dma_start3A_457] : memref<512xi32, #tpu.memory_space<vmem>> -> memref<256xi32, #tpu.memory_space<vmem>>
    %dma_start3A_459 = arith.constant 0 : i32
    %dma_start3A_460 = tpu.memref_slice %arg4[%dma_start3A_459] : memref<1000000xf32, #tpu.memory_space<hbm>> -> memref<1000000xf32, #tpu.memory_space<hbm>>
    tpu.enqueue_indirect_dma source(%dma_start3A_460 : memref<1000000xf32, #tpu.memory_space<hbm>>) target(%dma_start3A_456 : memref<256xf32, #tpu.memory_space<vmem>>) offsets(%dma_start3A_458 : memref<256xi32, #tpu.memory_space<vmem>>) semaphore(%arg11 : memref<!tpu.dma_semaphore, #tpu.memory_space<semaphore_mem>>)
    %dma_start3A_461 = arith.constant 256 : i32
    %dma_start3A_462 = tpu.memref_slice %arg8[%dma_start3A_461] : memref<512xf32, #tpu.memory_space<vmem>> -> memref<256xf32, #tpu.memory_space<vmem>>
    %dma_start3A_463 = arith.constant 256 : i32
    %dma_start3A_464 = tpu.memref_slice %arg7[%dma_start3A_463] : memref<512xi32, #tpu.memory_space<vmem>> -> memref<256xi32, #tpu.memory_space<vmem>>
    %dma_start3A_465 = arith.constant 0 : i32
    %dma_start3A_466 = tpu.memref_slice %arg4[%dma_start3A_465] : memref<1000000xf32, #tpu.memory_space<hbm>> -> memref<1000000xf32, #tpu.memory_space<hbm>>
    tpu.enqueue_indirect_dma source(%dma_start3A_466 : memref<1000000xf32, #tpu.memory_space<hbm>>) target(%dma_start3A_462 : memref<256xf32, #tpu.memory_space<vmem>>) offsets(%dma_start3A_464 : memref<256xi32, #tpu.memory_space<vmem>>) semaphore(%arg12 : memref<!tpu.dma_semaphore, #tpu.memory_space<semaphore_mem>>)
    %dma_wait3A_467 = arith.constant 0 : i32
    %dma_wait3A_468 = tpu.memref_slice %arg8[%dma_wait3A_467] : memref<512xf32, #tpu.memory_space<vmem>> -> memref<256xf32, #tpu.memory_space<vmem>>
    %dma_wait3A_469 = arith.constant 0 : i32
    %dma_wait3A_470 = tpu.memref_slice %arg7[%dma_wait3A_469] : memref<512xi32, #tpu.memory_space<vmem>> -> memref<256xi32, #tpu.memory_space<vmem>>
    %dma_wait3A_471 = arith.constant 0 : i32
    %dma_wait3A_472 = tpu.memref_slice %arg4[%dma_wait3A_471] : memref<1000000xf32, #tpu.memory_space<hbm>> -> memref<1000000xf32, #tpu.memory_space<hbm>>
    tpu.wait_indirect_dma semaphore(%arg11 : memref<!tpu.dma_semaphore, #tpu.memory_space<semaphore_mem>>) src(%dma_wait3A_472 : memref<1000000xf32, #tpu.memory_space<hbm>>) dst(%dma_wait3A_468 : memref<256xf32, #tpu.memory_space<vmem>>)
    %get3A_473 = arith.constant 0 : index
    %get3A_474 = tpu.vector_load %arg8[%get3A_473] {strides = array<i32>} : memref<512xf32, #tpu.memory_space<vmem>>, vector<16xf32>,
    %get3A_475 = vector.shape_cast %get3A_474 : vector<16xf32> to vector<16xf32>
    %neg3A = arith.constant 0.000000e+00 : f32
    %neg3A_476 = vector.broadcast %neg3A : f32 to vector<16xf32>
    %neg3A_477 = arith.subf %neg3A_476, %get3A_475 : vector<16xf32>
    %exp3A = math.exp %neg3A_477 : vector<16xf32>
    %add3A_478 = arith.constant 1.000000e+00 : f32
    %add3A_479 = vector.broadcast %add3A_478 : f32 to vector<16xf32>
    %add3A_480 = arith.addf %add3A_479, %exp3A : vector<16xf32>
    %div3A = arith.constant 1.000000e+00 : f32
    %div3A_481 = vector.broadcast %div3A : f32 to vector<16xf32>
    %div3A_482 = arith.divf %div3A_481, %add3A_480 : vector<16xf32>
    %swap3A_483 = arith.constant 0 : index
    %swap3A_484 = tpu.vector_load %arg8[%swap3A_483] {strides = array<i32>} : memref<512xf32, #tpu.memory_space<vmem>>, vector<16xf32>,
    %swap3A_485 = vector.shape_cast %swap3A_484 : vector<16xf32> to vector<16xf32>
    %swap3A_486 = vector.shape_cast %div3A_482 : vector<16xf32> to vector<16xf32>
    tpu.vector_store %arg8[%swap3A_483], %swap3A_486 {strides = array<i32>} : memref<512xf32, #tpu.memory_space<vmem>>, vector<16xf32>,
    %get3A_487 = arith.constant 16 : index
    %get3A_488 = tpu.vector_load %arg8[%get3A_487] {strides = array<i32>} : memref<512xf32, #tpu.memory_space<vmem>>, vector<16xf32>,
    %get3A_489 = vector.shape_cast %get3A_488 : vector<16xf32> to vector<16xf32>
    %neg3A_490 = arith.constant 0.000000e+00 : f32
    %neg3A_491 = vector.broadcast %neg3A_490 : f32 to vector<16xf32>
    %neg3A_492 = arith.subf %neg3A_491, %get3A_489 : vector<16xf32>
    %exp3A_493 = math.exp %neg3A_492 : vector<16xf32>
    %add3A_494 = arith.constant 1.000000e+00 : f32
    %add3A_495 = vector.broadcast %add3A_494 : f32 to vector<16xf32>
    %add3A_496 = arith.addf %add3A_495, %exp3A_493 : vector<16xf32>
    %div3A_497 = arith.constant 1.000000e+00 : f32
    %div3A_498 = vector.broadcast %div3A_497 : f32 to vector<16xf32>
    %div3A_499 = arith.divf %div3A_498, %add3A_496 : vector<16xf32>
    %swap3A_500 = arith.constant 16 : index
    %swap3A_501 = tpu.vector_load %arg8[%swap3A_500] {strides = array<i32>} : memref<512xf32, #tpu.memory_space<vmem>>, vector<16xf32>,
    %swap3A_502 = vector.shape_cast %swap3A_501 : vector<16xf32> to vector<16xf32>
    %swap3A_503 = vector.shape_cast %div3A_499 : vector<16xf32> to vector<16xf32>
    tpu.vector_store %arg8[%swap3A_500], %swap3A_503 {strides = array<i32>} : memref<512xf32, #tpu.memory_space<vmem>>, vector<16xf32>,
    %get3A_504 = arith.constant 32 : index
    %get3A_505 = tpu.vector_load %arg8[%get3A_504] {strides = array<i32>} : memref<512xf32, #tpu.memory_space<vmem>>, vector<16xf32>,
    %get3A_506 = vector.shape_cast %get3A_505 : vector<16xf32> to vector<16xf32>
    %neg3A_507 = arith.constant 0.000000e+00 : f32
    %neg3A_508 = vector.broadcast %neg3A_507 : f32 to vector<16xf32>
    %neg3A_509 = arith.subf %neg3A_508, %get3A_506 : vector<16xf32>
    %exp3A_510 = math.exp %neg3A_509 : vector<16xf32>
    %add3A_511 = arith.constant 1.000000e+00 : f32
    %add3A_512 = vector.broadcast %add3A_511 : f32 to vector<16xf32>
    %add3A_513 = arith.addf %add3A_512, %exp3A_510 : vector<16xf32>
    %div3A_514 = arith.constant 1.000000e+00 : f32
    %div3A_515 = vector.broadcast %div3A_514 : f32 to vector<16xf32>
    %div3A_516 = arith.divf %div3A_515, %add3A_513 : vector<16xf32>
    %swap3A_517 = arith.constant 32 : index
    %swap3A_518 = tpu.vector_load %arg8[%swap3A_517] {strides = array<i32>} : memref<512xf32, #tpu.memory_space<vmem>>, vector<16xf32>,
    %swap3A_519 = vector.shape_cast %swap3A_518 : vector<16xf32> to vector<16xf32>
    %swap3A_520 = vector.shape_cast %div3A_516 : vector<16xf32> to vector<16xf32>
    tpu.vector_store %arg8[%swap3A_517], %swap3A_520 {strides = array<i32>} : memref<512xf32, #tpu.memory_space<vmem>>, vector<16xf32>,
    %get3A_521 = arith.constant 48 : index
    %get3A_522 = tpu.vector_load %arg8[%get3A_521] {strides = array<i32>} : memref<512xf32, #tpu.memory_space<vmem>>, vector<16xf32>,
    %get3A_523 = vector.shape_cast %get3A_522 : vector<16xf32> to vector<16xf32>
    %neg3A_524 = arith.constant 0.000000e+00 : f32
    %neg3A_525 = vector.broadcast %neg3A_524 : f32 to vector<16xf32>
    %neg3A_526 = arith.subf %neg3A_525, %get3A_523 : vector<16xf32>
    %exp3A_527 = math.exp %neg3A_526 : vector<16xf32>
    %add3A_528 = arith.constant 1.000000e+00 : f32
    %add3A_529 = vector.broadcast %add3A_528 : f32 to vector<16xf32>
    %add3A_530 = arith.addf %add3A_529, %exp3A_527 : vector<16xf32>
    %div3A_531 = arith.constant 1.000000e+00 : f32
    %div3A_532 = vector.broadcast %div3A_531 : f32 to vector<16xf32>
    %div3A_533 = arith.divf %div3A_532, %add3A_530 : vector<16xf32>
    %swap3A_534 = arith.constant 48 : index
    %swap3A_535 = tpu.vector_load %arg8[%swap3A_534] {strides = array<i32>} : memref<512xf32, #tpu.memory_space<vmem>>, vector<16xf32>,
    %swap3A_536 = vector.shape_cast %swap3A_535 : vector<16xf32> to vector<16xf32>
    %swap3A_537 = vector.shape_cast %div3A_533 : vector<16xf32> to vector<16xf32>
    tpu.vector_store %arg8[%swap3A_534], %swap3A_537 {strides = array<i32>} : memref<512xf32, #tpu.memory_space<vmem>>, vector<16xf32>,
    %get3A_538 = arith.constant 64 : index
    %get3A_539 = tpu.vector_load %arg8[%get3A_538] {strides = array<i32>} : memref<512xf32, #tpu.memory_space<vmem>>, vector<16xf32>,
    %get3A_540 = vector.shape_cast %get3A_539 : vector<16xf32> to vector<16xf32>
    %neg3A_541 = arith.constant 0.000000e+00 : f32
    %neg3A_542 = vector.broadcast %neg3A_541 : f32 to vector<16xf32>
    %neg3A_543 = arith.subf %neg3A_542, %get3A_540 : vector<16xf32>
    %exp3A_544 = math.exp %neg3A_543 : vector<16xf32>
    %add3A_545 = arith.constant 1.000000e+00 : f32
    %add3A_546 = vector.broadcast %add3A_545 : f32 to vector<16xf32>
    %add3A_547 = arith.addf %add3A_546, %exp3A_544 : vector<16xf32>
    %div3A_548 = arith.constant 1.000000e+00 : f32
    %div3A_549 = vector.broadcast %div3A_548 : f32 to vector<16xf32>
    %div3A_550 = arith.divf %div3A_549, %add3A_547 : vector<16xf32>
    %swap3A_551 = arith.constant 64 : index
    %swap3A_552 = tpu.vector_load %arg8[%swap3A_551] {strides = array<i32>} : memref<512xf32, #tpu.memory_space<vmem>>, vector<16xf32>,
    %swap3A_553 = vector.shape_cast %swap3A_552 : vector<16xf32> to vector<16xf32>
    %swap3A_554 = vector.shape_cast %div3A_550 : vector<16xf32> to vector<16xf32>
    tpu.vector_store %arg8[%swap3A_551], %swap3A_554 {strides = array<i32>} : memref<512xf32, #tpu.memory_space<vmem>>, vector<16xf32>,
    %get3A_555 = arith.constant 80 : index
    %get3A_556 = tpu.vector_load %arg8[%get3A_555] {strides = array<i32>} : memref<512xf32, #tpu.memory_space<vmem>>, vector<16xf32>,
    %get3A_557 = vector.shape_cast %get3A_556 : vector<16xf32> to vector<16xf32>
    %neg3A_558 = arith.constant 0.000000e+00 : f32
    %neg3A_559 = vector.broadcast %neg3A_558 : f32 to vector<16xf32>
    %neg3A_560 = arith.subf %neg3A_559, %get3A_557 : vector<16xf32>
    %exp3A_561 = math.exp %neg3A_560 : vector<16xf32>
    %add3A_562 = arith.constant 1.000000e+00 : f32
    %add3A_563 = vector.broadcast %add3A_562 : f32 to vector<16xf32>
    %add3A_564 = arith.addf %add3A_563, %exp3A_561 : vector<16xf32>
    %div3A_565 = arith.constant 1.000000e+00 : f32
    %div3A_566 = vector.broadcast %div3A_565 : f32 to vector<16xf32>
    %div3A_567 = arith.divf %div3A_566, %add3A_564 : vector<16xf32>
    %swap3A_568 = arith.constant 80 : index
    %swap3A_569 = tpu.vector_load %arg8[%swap3A_568] {strides = array<i32>} : memref<512xf32, #tpu.memory_space<vmem>>, vector<16xf32>,
    %swap3A_570 = vector.shape_cast %swap3A_569 : vector<16xf32> to vector<16xf32>
    %swap3A_571 = vector.shape_cast %div3A_567 : vector<16xf32> to vector<16xf32>
    tpu.vector_store %arg8[%swap3A_568], %swap3A_571 {strides = array<i32>} : memref<512xf32, #tpu.memory_space<vmem>>, vector<16xf32>,
    %get3A_572 = arith.constant 96 : index
    %get3A_573 = tpu.vector_load %arg8[%get3A_572] {strides = array<i32>} : memref<512xf32, #tpu.memory_space<vmem>>, vector<16xf32>,
    %get3A_574 = vector.shape_cast %get3A_573 : vector<16xf32> to vector<16xf32>
    %neg3A_575 = arith.constant 0.000000e+00 : f32
    %neg3A_576 = vector.broadcast %neg3A_575 : f32 to vector<16xf32>
    %neg3A_577 = arith.subf %neg3A_576, %get3A_574 : vector<16xf32>
    %exp3A_578 = math.exp %neg3A_577 : vector<16xf32>
    %add3A_579 = arith.constant 1.000000e+00 : f32
    %add3A_580 = vector.broadcast %add3A_579 : f32 to vector<16xf32>
    %add3A_581 = arith.addf %add3A_580, %exp3A_578 : vector<16xf32>
    %div3A_582 = arith.constant 1.000000e+00 : f32
    %div3A_583 = vector.broadcast %div3A_582 : f32 to vector<16xf32>
    %div3A_584 = arith.divf %div3A_583, %add3A_581 : vector<16xf32>
    %swap3A_585 = arith.constant 96 : index
    %swap3A_586 = tpu.vector_load %arg8[%swap3A_585] {strides = array<i32>} : memref<512xf32, #tpu.memory_space<vmem>>, vector<16xf32>,
    %swap3A_587 = vector.shape_cast %swap3A_586 : vector<16xf32> to vector<16xf32>
    %swap3A_588 = vector.shape_cast %div3A_584 : vector<16xf32> to vector<16xf32>
    tpu.vector_store %arg8[%swap3A_585], %swap3A_588 {strides = array<i32>} : memref<512xf32, #tpu.memory_space<vmem>>, vector<16xf32>,
    %get3A_589 = arith.constant 112 : index
    %get3A_590 = tpu.vector_load %arg8[%get3A_589] {strides = array<i32>} : memref<512xf32, #tpu.memory_space<vmem>>, vector<16xf32>,
    %get3A_591 = vector.shape_cast %get3A_590 : vector<16xf32> to vector<16xf32>
    %neg3A_592 = arith.constant 0.000000e+00 : f32
    %neg3A_593 = vector.broadcast %neg3A_592 : f32 to vector<16xf32>
    %neg3A_594 = arith.subf %neg3A_593, %get3A_591 : vector<16xf32>
    %exp3A_595 = math.exp %neg3A_594 : vector<16xf32>
    %add3A_596 = arith.constant 1.000000e+00 : f32
    %add3A_597 = vector.broadcast %add3A_596 : f32 to vector<16xf32>
    %add3A_598 = arith.addf %add3A_597, %exp3A_595 : vector<16xf32>
    %div3A_599 = arith.constant 1.000000e+00 : f32
    %div3A_600 = vector.broadcast %div3A_599 : f32 to vector<16xf32>
    %div3A_601 = arith.divf %div3A_600, %add3A_598 : vector<16xf32>
    %swap3A_602 = arith.constant 112 : index
    %swap3A_603 = tpu.vector_load %arg8[%swap3A_602] {strides = array<i32>} : memref<512xf32, #tpu.memory_space<vmem>>, vector<16xf32>,
    %swap3A_604 = vector.shape_cast %swap3A_603 : vector<16xf32> to vector<16xf32>
    %swap3A_605 = vector.shape_cast %div3A_601 : vector<16xf32> to vector<16xf32>
    tpu.vector_store %arg8[%swap3A_602], %swap3A_605 {strides = array<i32>} : memref<512xf32, #tpu.memory_space<vmem>>, vector<16xf32>,
    %get3A_606 = arith.constant 128 : index
    %get3A_607 = tpu.vector_load %arg8[%get3A_606] {strides = array<i32>} : memref<512xf32, #tpu.memory_space<vmem>>, vector<16xf32>,
    %get3A_608 = vector.shape_cast %get3A_607 : vector<16xf32> to vector<16xf32>
    %neg3A_609 = arith.constant 0.000000e+00 : f32
    %neg3A_610 = vector.broadcast %neg3A_609 : f32 to vector<16xf32>
    %neg3A_611 = arith.subf %neg3A_610, %get3A_608 : vector<16xf32>
    %exp3A_612 = math.exp %neg3A_611 : vector<16xf32>
    %add3A_613 = arith.constant 1.000000e+00 : f32
    %add3A_614 = vector.broadcast %add3A_613 : f32 to vector<16xf32>
    %add3A_615 = arith.addf %add3A_614, %exp3A_612 : vector<16xf32>
    %div3A_616 = arith.constant 1.000000e+00 : f32
    %div3A_617 = vector.broadcast %div3A_616 : f32 to vector<16xf32>
    %div3A_618 = arith.divf %div3A_617, %add3A_615 : vector<16xf32>
    %swap3A_619 = arith.constant 128 : index
    %swap3A_620 = tpu.vector_load %arg8[%swap3A_619] {strides = array<i32>} : memref<512xf32, #tpu.memory_space<vmem>>, vector<16xf32>,
    %swap3A_621 = vector.shape_cast %swap3A_620 : vector<16xf32> to vector<16xf32>
    %swap3A_622 = vector.shape_cast %div3A_618 : vector<16xf32> to vector<16xf32>
    tpu.vector_store %arg8[%swap3A_619], %swap3A_622 {strides = array<i32>} : memref<512xf32, #tpu.memory_space<vmem>>, vector<16xf32>,
    %get3A_623 = arith.constant 144 : index
    %get3A_624 = tpu.vector_load %arg8[%get3A_623] {strides = array<i32>} : memref<512xf32, #tpu.memory_space<vmem>>, vector<16xf32>,
    %get3A_625 = vector.shape_cast %get3A_624 : vector<16xf32> to vector<16xf32>
    %neg3A_626 = arith.constant 0.000000e+00 : f32
    %neg3A_627 = vector.broadcast %neg3A_626 : f32 to vector<16xf32>
    %neg3A_628 = arith.subf %neg3A_627, %get3A_625 : vector<16xf32>
    %exp3A_629 = math.exp %neg3A_628 : vector<16xf32>
    %add3A_630 = arith.constant 1.000000e+00 : f32
    %add3A_631 = vector.broadcast %add3A_630 : f32 to vector<16xf32>
    %add3A_632 = arith.addf %add3A_631, %exp3A_629 : vector<16xf32>
    %div3A_633 = arith.constant 1.000000e+00 : f32
    %div3A_634 = vector.broadcast %div3A_633 : f32 to vector<16xf32>
    %div3A_635 = arith.divf %div3A_634, %add3A_632 : vector<16xf32>
    %swap3A_636 = arith.constant 144 : index
    %swap3A_637 = tpu.vector_load %arg8[%swap3A_636] {strides = array<i32>} : memref<512xf32, #tpu.memory_space<vmem>>, vector<16xf32>,
    %swap3A_638 = vector.shape_cast %swap3A_637 : vector<16xf32> to vector<16xf32>
    %swap3A_639 = vector.shape_cast %div3A_635 : vector<16xf32> to vector<16xf32>
    tpu.vector_store %arg8[%swap3A_636], %swap3A_639 {strides = array<i32>} : memref<512xf32, #tpu.memory_space<vmem>>, vector<16xf32>,
    %get3A_640 = arith.constant 160 : index
    %get3A_641 = tpu.vector_load %arg8[%get3A_640] {strides = array<i32>} : memref<512xf32, #tpu.memory_space<vmem>>, vector<16xf32>,
    %get3A_642 = vector.shape_cast %get3A_641 : vector<16xf32> to vector<16xf32>
    %neg3A_643 = arith.constant 0.000000e+00 : f32
    %neg3A_644 = vector.broadcast %neg3A_643 : f32 to vector<16xf32>
    %neg3A_645 = arith.subf %neg3A_644, %get3A_642 : vector<16xf32>
    %exp3A_646 = math.exp %neg3A_645 : vector<16xf32>
    %add3A_647 = arith.constant 1.000000e+00 : f32
    %add3A_648 = vector.broadcast %add3A_647 : f32 to vector<16xf32>
    %add3A_649 = arith.addf %add3A_648, %exp3A_646 : vector<16xf32>
    %div3A_650 = arith.constant 1.000000e+00 : f32
    %div3A_651 = vector.broadcast %div3A_650 : f32 to vector<16xf32>
    %div3A_652 = arith.divf %div3A_651, %add3A_649 : vector<16xf32>
    %swap3A_653 = arith.constant 160 : index
    %swap3A_654 = tpu.vector_load %arg8[%swap3A_653] {strides = array<i32>} : memref<512xf32, #tpu.memory_space<vmem>>, vector<16xf32>,
    %swap3A_655 = vector.shape_cast %swap3A_654 : vector<16xf32> to vector<16xf32>
    %swap3A_656 = vector.shape_cast %div3A_652 : vector<16xf32> to vector<16xf32>
    tpu.vector_store %arg8[%swap3A_653], %swap3A_656 {strides = array<i32>} : memref<512xf32, #tpu.memory_space<vmem>>, vector<16xf32>,
    %get3A_657 = arith.constant 176 : index
    %get3A_658 = tpu.vector_load %arg8[%get3A_657] {strides = array<i32>} : memref<512xf32, #tpu.memory_space<vmem>>, vector<16xf32>,
    %get3A_659 = vector.shape_cast %get3A_658 : vector<16xf32> to vector<16xf32>
    %neg3A_660 = arith.constant 0.000000e+00 : f32
    %neg3A_661 = vector.broadcast %neg3A_660 : f32 to vector<16xf32>
    %neg3A_662 = arith.subf %neg3A_661, %get3A_659 : vector<16xf32>
    %exp3A_663 = math.exp %neg3A_662 : vector<16xf32>
    %add3A_664 = arith.constant 1.000000e+00 : f32
    %add3A_665 = vector.broadcast %add3A_664 : f32 to vector<16xf32>
    %add3A_666 = arith.addf %add3A_665, %exp3A_663 : vector<16xf32>
    %div3A_667 = arith.constant 1.000000e+00 : f32
    %div3A_668 = vector.broadcast %div3A_667 : f32 to vector<16xf32>
    %div3A_669 = arith.divf %div3A_668, %add3A_666 : vector<16xf32>
    %swap3A_670 = arith.constant 176 : index
    %swap3A_671 = tpu.vector_load %arg8[%swap3A_670] {strides = array<i32>} : memref<512xf32, #tpu.memory_space<vmem>>, vector<16xf32>,
    %swap3A_672 = vector.shape_cast %swap3A_671 : vector<16xf32> to vector<16xf32>
    %swap3A_673 = vector.shape_cast %div3A_669 : vector<16xf32> to vector<16xf32>
    tpu.vector_store %arg8[%swap3A_670], %swap3A_673 {strides = array<i32>} : memref<512xf32, #tpu.memory_space<vmem>>, vector<16xf32>,
    %get3A_674 = arith.constant 192 : index
    %get3A_675 = tpu.vector_load %arg8[%get3A_674] {strides = array<i32>} : memref<512xf32, #tpu.memory_space<vmem>>, vector<16xf32>,
    %get3A_676 = vector.shape_cast %get3A_675 : vector<16xf32> to vector<16xf32>
    %neg3A_677 = arith.constant 0.000000e+00 : f32
    %neg3A_678 = vector.broadcast %neg3A_677 : f32 to vector<16xf32>
    %neg3A_679 = arith.subf %neg3A_678, %get3A_676 : vector<16xf32>
    %exp3A_680 = math.exp %neg3A_679 : vector<16xf32>
    %add3A_681 = arith.constant 1.000000e+00 : f32
    %add3A_682 = vector.broadcast %add3A_681 : f32 to vector<16xf32>
    %add3A_683 = arith.addf %add3A_682, %exp3A_680 : vector<16xf32>
    %div3A_684 = arith.constant 1.000000e+00 : f32
    %div3A_685 = vector.broadcast %div3A_684 : f32 to vector<16xf32>
    %div3A_686 = arith.divf %div3A_685, %add3A_683 : vector<16xf32>
    %swap3A_687 = arith.constant 192 : index
    %swap3A_688 = tpu.vector_load %arg8[%swap3A_687] {strides = array<i32>} : memref<512xf32, #tpu.memory_space<vmem>>, vector<16xf32>,
    %swap3A_689 = vector.shape_cast %swap3A_688 : vector<16xf32> to vector<16xf32>
    %swap3A_690 = vector.shape_cast %div3A_686 : vector<16xf32> to vector<16xf32>
    tpu.vector_store %arg8[%swap3A_687], %swap3A_690 {strides = array<i32>} : memref<512xf32, #tpu.memory_space<vmem>>, vector<16xf32>,
    %get3A_691 = arith.constant 208 : index
    %get3A_692 = tpu.vector_load %arg8[%get3A_691] {strides = array<i32>} : memref<512xf32, #tpu.memory_space<vmem>>, vector<16xf32>,
    %get3A_693 = vector.shape_cast %get3A_692 : vector<16xf32> to vector<16xf32>
    %neg3A_694 = arith.constant 0.000000e+00 : f32
    %neg3A_695 = vector.broadcast %neg3A_694 : f32 to vector<16xf32>
    %neg3A_696 = arith.subf %neg3A_695, %get3A_693 : vector<16xf32>
    %exp3A_697 = math.exp %neg3A_696 : vector<16xf32>
    %add3A_698 = arith.constant 1.000000e+00 : f32
    %add3A_699 = vector.broadcast %add3A_698 : f32 to vector<16xf32>
    %add3A_700 = arith.addf %add3A_699, %exp3A_697 : vector<16xf32>
    %div3A_701 = arith.constant 1.000000e+00 : f32
    %div3A_702 = vector.broadcast %div3A_701 : f32 to vector<16xf32>
    %div3A_703 = arith.divf %div3A_702, %add3A_700 : vector<16xf32>
    %swap3A_704 = arith.constant 208 : index
    %swap3A_705 = tpu.vector_load %arg8[%swap3A_704] {strides = array<i32>} : memref<512xf32, #tpu.memory_space<vmem>>, vector<16xf32>,
    %swap3A_706 = vector.shape_cast %swap3A_705 : vector<16xf32> to vector<16xf32>
    %swap3A_707 = vector.shape_cast %div3A_703 : vector<16xf32> to vector<16xf32>
    tpu.vector_store %arg8[%swap3A_704], %swap3A_707 {strides = array<i32>} : memref<512xf32, #tpu.memory_space<vmem>>, vector<16xf32>,
    %get3A_708 = arith.constant 224 : index
    %get3A_709 = tpu.vector_load %arg8[%get3A_708] {strides = array<i32>} : memref<512xf32, #tpu.memory_space<vmem>>, vector<16xf32>,
    %get3A_710 = vector.shape_cast %get3A_709 : vector<16xf32> to vector<16xf32>
    %neg3A_711 = arith.constant 0.000000e+00 : f32
    %neg3A_712 = vector.broadcast %neg3A_711 : f32 to vector<16xf32>
    %neg3A_713 = arith.subf %neg3A_712, %get3A_710 : vector<16xf32>
    %exp3A_714 = math.exp %neg3A_713 : vector<16xf32>
    %add3A_715 = arith.constant 1.000000e+00 : f32
    %add3A_716 = vector.broadcast %add3A_715 : f32 to vector<16xf32>
    %add3A_717 = arith.addf %add3A_716, %exp3A_714 : vector<16xf32>
    %div3A_718 = arith.constant 1.000000e+00 : f32
    %div3A_719 = vector.broadcast %div3A_718 : f32 to vector<16xf32>
    %div3A_720 = arith.divf %div3A_719, %add3A_717 : vector<16xf32>
    %swap3A_721 = arith.constant 224 : index
    %swap3A_722 = tpu.vector_load %arg8[%swap3A_721] {strides = array<i32>} : memref<512xf32, #tpu.memory_space<vmem>>, vector<16xf32>,
    %swap3A_723 = vector.shape_cast %swap3A_722 : vector<16xf32> to vector<16xf32>
    %swap3A_724 = vector.shape_cast %div3A_720 : vector<16xf32> to vector<16xf32>
    tpu.vector_store %arg8[%swap3A_721], %swap3A_724 {strides = array<i32>} : memref<512xf32, #tpu.memory_space<vmem>>, vector<16xf32>,
    %get3A_725 = arith.constant 240 : index
    %get3A_726 = tpu.vector_load %arg8[%get3A_725] {strides = array<i32>} : memref<512xf32, #tpu.memory_space<vmem>>, vector<16xf32>,
    %get3A_727 = vector.shape_cast %get3A_726 : vector<16xf32> to vector<16xf32>
    %neg3A_728 = arith.constant 0.000000e+00 : f32
    %neg3A_729 = vector.broadcast %neg3A_728 : f32 to vector<16xf32>
    %neg3A_730 = arith.subf %neg3A_729, %get3A_727 : vector<16xf32>
    %exp3A_731 = math.exp %neg3A_730 : vector<16xf32>
    %add3A_732 = arith.constant 1.000000e+00 : f32
    %add3A_733 = vector.broadcast %add3A_732 : f32 to vector<16xf32>
    %add3A_734 = arith.addf %add3A_733, %exp3A_731 : vector<16xf32>
    %div3A_735 = arith.constant 1.000000e+00 : f32
    %div3A_736 = vector.broadcast %div3A_735 : f32 to vector<16xf32>
    %div3A_737 = arith.divf %div3A_736, %add3A_734 : vector<16xf32>
    %swap3A_738 = arith.constant 240 : index
    %swap3A_739 = tpu.vector_load %arg8[%swap3A_738] {strides = array<i32>} : memref<512xf32, #tpu.memory_space<vmem>>, vector<16xf32>,
    %swap3A_740 = vector.shape_cast %swap3A_739 : vector<16xf32> to vector<16xf32>
    %swap3A_741 = vector.shape_cast %div3A_737 : vector<16xf32> to vector<16xf32>
    tpu.vector_store %arg8[%swap3A_738], %swap3A_741 {strides = array<i32>} : memref<512xf32, #tpu.memory_space<vmem>>, vector<16xf32>,
    %dma_wait3A_742 = arith.constant 256 : i32
    %dma_wait3A_743 = tpu.memref_slice %arg8[%dma_wait3A_742] : memref<512xf32, #tpu.memory_space<vmem>> -> memref<256xf32, #tpu.memory_space<vmem>>
    %dma_wait3A_744 = arith.constant 256 : i32
    %dma_wait3A_745 = tpu.memref_slice %arg7[%dma_wait3A_744] : memref<512xi32, #tpu.memory_space<vmem>> -> memref<256xi32, #tpu.memory_space<vmem>>
    %dma_wait3A_746 = arith.constant 0 : i32
    %dma_wait3A_747 = tpu.memref_slice %arg4[%dma_wait3A_746] : memref<1000000xf32, #tpu.memory_space<hbm>> -> memref<1000000xf32, #tpu.memory_space<hbm>>
    tpu.wait_indirect_dma semaphore(%arg12 : memref<!tpu.dma_semaphore, #tpu.memory_space<semaphore_mem>>) src(%dma_wait3A_747 : memref<1000000xf32, #tpu.memory_space<hbm>>) dst(%dma_wait3A_743 : memref<256xf32, #tpu.memory_space<vmem>>)
    %get3A_748 = arith.constant 256 : index
    %get3A_749 = tpu.vector_load %arg8[%get3A_748] {strides = array<i32>} : memref<512xf32, #tpu.memory_space<vmem>>, vector<16xf32>,
    %get3A_750 = vector.shape_cast %get3A_749 : vector<16xf32> to vector<16xf32>
    %neg3A_751 = arith.constant 0.000000e+00 : f32
    %neg3A_752 = vector.broadcast %neg3A_751 : f32 to vector<16xf32>
    %neg3A_753 = arith.subf %neg3A_752, %get3A_750 : vector<16xf32>
    %exp3A_754 = math.exp %neg3A_753 : vector<16xf32>
    %add3A_755 = arith.constant 1.000000e+00 : f32
    %add3A_756 = vector.broadcast %add3A_755 : f32 to vector<16xf32>
    %add3A_757 = arith.addf %add3A_756, %exp3A_754 : vector<16xf32>
    %div3A_758 = arith.constant 1.000000e+00 : f32
    %div3A_759 = vector.broadcast %div3A_758 : f32 to vector<16xf32>
    %div3A_760 = arith.divf %div3A_759, %add3A_757 : vector<16xf32>
    %swap3A_761 = arith.constant 256 : index
    %swap3A_762 = tpu.vector_load %arg8[%swap3A_761] {strides = array<i32>} : memref<512xf32, #tpu.memory_space<vmem>>, vector<16xf32>,
    %swap3A_763 = vector.shape_cast %swap3A_762 : vector<16xf32> to vector<16xf32>
    %swap3A_764 = vector.shape_cast %div3A_760 : vector<16xf32> to vector<16xf32>
    tpu.vector_store %arg8[%swap3A_761], %swap3A_764 {strides = array<i32>} : memref<512xf32, #tpu.memory_space<vmem>>, vector<16xf32>,
    %get3A_765 = arith.constant 272 : index
    %get3A_766 = tpu.vector_load %arg8[%get3A_765] {strides = array<i32>} : memref<512xf32, #tpu.memory_space<vmem>>, vector<16xf32>,
    %get3A_767 = vector.shape_cast %get3A_766 : vector<16xf32> to vector<16xf32>
    %neg3A_768 = arith.constant 0.000000e+00 : f32
    %neg3A_769 = vector.broadcast %neg3A_768 : f32 to vector<16xf32>
    %neg3A_770 = arith.subf %neg3A_769, %get3A_767 : vector<16xf32>
    %exp3A_771 = math.exp %neg3A_770 : vector<16xf32>
    %add3A_772 = arith.constant 1.000000e+00 : f32
    %add3A_773 = vector.broadcast %add3A_772 : f32 to vector<16xf32>
    %add3A_774 = arith.addf %add3A_773, %exp3A_771 : vector<16xf32>
    %div3A_775 = arith.constant 1.000000e+00 : f32
    %div3A_776 = vector.broadcast %div3A_775 : f32 to vector<16xf32>
    %div3A_777 = arith.divf %div3A_776, %add3A_774 : vector<16xf32>
    %swap3A_778 = arith.constant 272 : index
    %swap3A_779 = tpu.vector_load %arg8[%swap3A_778] {strides = array<i32>} : memref<512xf32, #tpu.memory_space<vmem>>, vector<16xf32>,
    %swap3A_780 = vector.shape_cast %swap3A_779 : vector<16xf32> to vector<16xf32>
    %swap3A_781 = vector.shape_cast %div3A_777 : vector<16xf32> to vector<16xf32>
    tpu.vector_store %arg8[%swap3A_778], %swap3A_781 {strides = array<i32>} : memref<512xf32, #tpu.memory_space<vmem>>, vector<16xf32>,
    %get3A_782 = arith.constant 288 : index
    %get3A_783 = tpu.vector_load %arg8[%get3A_782] {strides = array<i32>} : memref<512xf32, #tpu.memory_space<vmem>>, vector<16xf32>,
    %get3A_784 = vector.shape_cast %get3A_783 : vector<16xf32> to vector<16xf32>
    %neg3A_785 = arith.constant 0.000000e+00 : f32
    %neg3A_786 = vector.broadcast %neg3A_785 : f32 to vector<16xf32>
    %neg3A_787 = arith.subf %neg3A_786, %get3A_784 : vector<16xf32>
    %exp3A_788 = math.exp %neg3A_787 : vector<16xf32>
    %add3A_789 = arith.constant 1.000000e+00 : f32
    %add3A_790 = vector.broadcast %add3A_789 : f32 to vector<16xf32>
    %add3A_791 = arith.addf %add3A_790, %exp3A_788 : vector<16xf32>
    %div3A_792 = arith.constant 1.000000e+00 : f32
    %div3A_793 = vector.broadcast %div3A_792 : f32 to vector<16xf32>
    %div3A_794 = arith.divf %div3A_793, %add3A_791 : vector<16xf32>
    %swap3A_795 = arith.constant 288 : index
    %swap3A_796 = tpu.vector_load %arg8[%swap3A_795] {strides = array<i32>} : memref<512xf32, #tpu.memory_space<vmem>>, vector<16xf32>,
    %swap3A_797 = vector.shape_cast %swap3A_796 : vector<16xf32> to vector<16xf32>
    %swap3A_798 = vector.shape_cast %div3A_794 : vector<16xf32> to vector<16xf32>
    tpu.vector_store %arg8[%swap3A_795], %swap3A_798 {strides = array<i32>} : memref<512xf32, #tpu.memory_space<vmem>>, vector<16xf32>,
    %get3A_799 = arith.constant 304 : index
    %get3A_800 = tpu.vector_load %arg8[%get3A_799] {strides = array<i32>} : memref<512xf32, #tpu.memory_space<vmem>>, vector<16xf32>,
    %get3A_801 = vector.shape_cast %get3A_800 : vector<16xf32> to vector<16xf32>
    %neg3A_802 = arith.constant 0.000000e+00 : f32
    %neg3A_803 = vector.broadcast %neg3A_802 : f32 to vector<16xf32>
    %neg3A_804 = arith.subf %neg3A_803, %get3A_801 : vector<16xf32>
    %exp3A_805 = math.exp %neg3A_804 : vector<16xf32>
    %add3A_806 = arith.constant 1.000000e+00 : f32
    %add3A_807 = vector.broadcast %add3A_806 : f32 to vector<16xf32>
    %add3A_808 = arith.addf %add3A_807, %exp3A_805 : vector<16xf32>
    %div3A_809 = arith.constant 1.000000e+00 : f32
    %div3A_810 = vector.broadcast %div3A_809 : f32 to vector<16xf32>
    %div3A_811 = arith.divf %div3A_810, %add3A_808 : vector<16xf32>
    %swap3A_812 = arith.constant 304 : index
    %swap3A_813 = tpu.vector_load %arg8[%swap3A_812] {strides = array<i32>} : memref<512xf32, #tpu.memory_space<vmem>>, vector<16xf32>,
    %swap3A_814 = vector.shape_cast %swap3A_813 : vector<16xf32> to vector<16xf32>
    %swap3A_815 = vector.shape_cast %div3A_811 : vector<16xf32> to vector<16xf32>
    tpu.vector_store %arg8[%swap3A_812], %swap3A_815 {strides = array<i32>} : memref<512xf32, #tpu.memory_space<vmem>>, vector<16xf32>,
    %get3A_816 = arith.constant 320 : index
    %get3A_817 = tpu.vector_load %arg8[%get3A_816] {strides = array<i32>} : memref<512xf32, #tpu.memory_space<vmem>>, vector<16xf32>,
    %get3A_818 = vector.shape_cast %get3A_817 : vector<16xf32> to vector<16xf32>
    %neg3A_819 = arith.constant 0.000000e+00 : f32
    %neg3A_820 = vector.broadcast %neg3A_819 : f32 to vector<16xf32>
    %neg3A_821 = arith.subf %neg3A_820, %get3A_818 : vector<16xf32>
    %exp3A_822 = math.exp %neg3A_821 : vector<16xf32>
    %add3A_823 = arith.constant 1.000000e+00 : f32
    %add3A_824 = vector.broadcast %add3A_823 : f32 to vector<16xf32>
    %add3A_825 = arith.addf %add3A_824, %exp3A_822 : vector<16xf32>
    %div3A_826 = arith.constant 1.000000e+00 : f32
    %div3A_827 = vector.broadcast %div3A_826 : f32 to vector<16xf32>
    %div3A_828 = arith.divf %div3A_827, %add3A_825 : vector<16xf32>
    %swap3A_829 = arith.constant 320 : index
    %swap3A_830 = tpu.vector_load %arg8[%swap3A_829] {strides = array<i32>} : memref<512xf32, #tpu.memory_space<vmem>>, vector<16xf32>,
    %swap3A_831 = vector.shape_cast %swap3A_830 : vector<16xf32> to vector<16xf32>
    %swap3A_832 = vector.shape_cast %div3A_828 : vector<16xf32> to vector<16xf32>
    tpu.vector_store %arg8[%swap3A_829], %swap3A_832 {strides = array<i32>} : memref<512xf32, #tpu.memory_space<vmem>>, vector<16xf32>,
    %get3A_833 = arith.constant 336 : index
    %get3A_834 = tpu.vector_load %arg8[%get3A_833] {strides = array<i32>} : memref<512xf32, #tpu.memory_space<vmem>>, vector<16xf32>,
    %get3A_835 = vector.shape_cast %get3A_834 : vector<16xf32> to vector<16xf32>
    %neg3A_836 = arith.constant 0.000000e+00 : f32
    %neg3A_837 = vector.broadcast %neg3A_836 : f32 to vector<16xf32>
    %neg3A_838 = arith.subf %neg3A_837, %get3A_835 : vector<16xf32>
    %exp3A_839 = math.exp %neg3A_838 : vector<16xf32>
    %add3A_840 = arith.constant 1.000000e+00 : f32
    %add3A_841 = vector.broadcast %add3A_840 : f32 to vector<16xf32>
    %add3A_842 = arith.addf %add3A_841, %exp3A_839 : vector<16xf32>
    %div3A_843 = arith.constant 1.000000e+00 : f32
    %div3A_844 = vector.broadcast %div3A_843 : f32 to vector<16xf32>
    %div3A_845 = arith.divf %div3A_844, %add3A_842 : vector<16xf32>
    %swap3A_846 = arith.constant 336 : index
    %swap3A_847 = tpu.vector_load %arg8[%swap3A_846] {strides = array<i32>} : memref<512xf32, #tpu.memory_space<vmem>>, vector<16xf32>,
    %swap3A_848 = vector.shape_cast %swap3A_847 : vector<16xf32> to vector<16xf32>
    %swap3A_849 = vector.shape_cast %div3A_845 : vector<16xf32> to vector<16xf32>
    tpu.vector_store %arg8[%swap3A_846], %swap3A_849 {strides = array<i32>} : memref<512xf32, #tpu.memory_space<vmem>>, vector<16xf32>,
    %get3A_850 = arith.constant 352 : index
    %get3A_851 = tpu.vector_load %arg8[%get3A_850] {strides = array<i32>} : memref<512xf32, #tpu.memory_space<vmem>>, vector<16xf32>,
    %get3A_852 = vector.shape_cast %get3A_851 : vector<16xf32> to vector<16xf32>
    %neg3A_853 = arith.constant 0.000000e+00 : f32
    %neg3A_854 = vector.broadcast %neg3A_853 : f32 to vector<16xf32>
    %neg3A_855 = arith.subf %neg3A_854, %get3A_852 : vector<16xf32>
    %exp3A_856 = math.exp %neg3A_855 : vector<16xf32>
    %add3A_857 = arith.constant 1.000000e+00 : f32
    %add3A_858 = vector.broadcast %add3A_857 : f32 to vector<16xf32>
    %add3A_859 = arith.addf %add3A_858, %exp3A_856 : vector<16xf32>
    %div3A_860 = arith.constant 1.000000e+00 : f32
    %div3A_861 = vector.broadcast %div3A_860 : f32 to vector<16xf32>
    %div3A_862 = arith.divf %div3A_861, %add3A_859 : vector<16xf32>
    %swap3A_863 = arith.constant 352 : index
    %swap3A_864 = tpu.vector_load %arg8[%swap3A_863] {strides = array<i32>} : memref<512xf32, #tpu.memory_space<vmem>>, vector<16xf32>,
    %swap3A_865 = vector.shape_cast %swap3A_864 : vector<16xf32> to vector<16xf32>
    %swap3A_866 = vector.shape_cast %div3A_862 : vector<16xf32> to vector<16xf32>
    tpu.vector_store %arg8[%swap3A_863], %swap3A_866 {strides = array<i32>} : memref<512xf32, #tpu.memory_space<vmem>>, vector<16xf32>,
    %get3A_867 = arith.constant 368 : index
    %get3A_868 = tpu.vector_load %arg8[%get3A_867] {strides = array<i32>} : memref<512xf32, #tpu.memory_space<vmem>>, vector<16xf32>,
    %get3A_869 = vector.shape_cast %get3A_868 : vector<16xf32> to vector<16xf32>
    %neg3A_870 = arith.constant 0.000000e+00 : f32
    %neg3A_871 = vector.broadcast %neg3A_870 : f32 to vector<16xf32>
    %neg3A_872 = arith.subf %neg3A_871, %get3A_869 : vector<16xf32>
    %exp3A_873 = math.exp %neg3A_872 : vector<16xf32>
    %add3A_874 = arith.constant 1.000000e+00 : f32
    %add3A_875 = vector.broadcast %add3A_874 : f32 to vector<16xf32>
    %add3A_876 = arith.addf %add3A_875, %exp3A_873 : vector<16xf32>
    %div3A_877 = arith.constant 1.000000e+00 : f32
    %div3A_878 = vector.broadcast %div3A_877 : f32 to vector<16xf32>
    %div3A_879 = arith.divf %div3A_878, %add3A_876 : vector<16xf32>
    %swap3A_880 = arith.constant 368 : index
    %swap3A_881 = tpu.vector_load %arg8[%swap3A_880] {strides = array<i32>} : memref<512xf32, #tpu.memory_space<vmem>>, vector<16xf32>,
    %swap3A_882 = vector.shape_cast %swap3A_881 : vector<16xf32> to vector<16xf32>
    %swap3A_883 = vector.shape_cast %div3A_879 : vector<16xf32> to vector<16xf32>
    tpu.vector_store %arg8[%swap3A_880], %swap3A_883 {strides = array<i32>} : memref<512xf32, #tpu.memory_space<vmem>>, vector<16xf32>,
    %get3A_884 = arith.constant 384 : index
    %get3A_885 = tpu.vector_load %arg8[%get3A_884] {strides = array<i32>} : memref<512xf32, #tpu.memory_space<vmem>>, vector<16xf32>,
    %get3A_886 = vector.shape_cast %get3A_885 : vector<16xf32> to vector<16xf32>
    %neg3A_887 = arith.constant 0.000000e+00 : f32
    %neg3A_888 = vector.broadcast %neg3A_887 : f32 to vector<16xf32>
    %neg3A_889 = arith.subf %neg3A_888, %get3A_886 : vector<16xf32>
    %exp3A_890 = math.exp %neg3A_889 : vector<16xf32>
    %add3A_891 = arith.constant 1.000000e+00 : f32
    %add3A_892 = vector.broadcast %add3A_891 : f32 to vector<16xf32>
    %add3A_893 = arith.addf %add3A_892, %exp3A_890 : vector<16xf32>
    %div3A_894 = arith.constant 1.000000e+00 : f32
    %div3A_895 = vector.broadcast %div3A_894 : f32 to vector<16xf32>
    %div3A_896 = arith.divf %div3A_895, %add3A_893 : vector<16xf32>
    %swap3A_897 = arith.constant 384 : index
    %swap3A_898 = tpu.vector_load %arg8[%swap3A_897] {strides = array<i32>} : memref<512xf32, #tpu.memory_space<vmem>>, vector<16xf32>,
    %swap3A_899 = vector.shape_cast %swap3A_898 : vector<16xf32> to vector<16xf32>
    %swap3A_900 = vector.shape_cast %div3A_896 : vector<16xf32> to vector<16xf32>
    tpu.vector_store %arg8[%swap3A_897], %swap3A_900 {strides = array<i32>} : memref<512xf32, #tpu.memory_space<vmem>>, vector<16xf32>,
    %get3A_901 = arith.constant 400 : index
    %get3A_902 = tpu.vector_load %arg8[%get3A_901] {strides = array<i32>} : memref<512xf32, #tpu.memory_space<vmem>>, vector<16xf32>,
    %get3A_903 = vector.shape_cast %get3A_902 : vector<16xf32> to vector<16xf32>
    %neg3A_904 = arith.constant 0.000000e+00 : f32
    %neg3A_905 = vector.broadcast %neg3A_904 : f32 to vector<16xf32>
    %neg3A_906 = arith.subf %neg3A_905, %get3A_903 : vector<16xf32>
    %exp3A_907 = math.exp %neg3A_906 : vector<16xf32>
    %add3A_908 = arith.constant 1.000000e+00 : f32
    %add3A_909 = vector.broadcast %add3A_908 : f32 to vector<16xf32>
    %add3A_910 = arith.addf %add3A_909, %exp3A_907 : vector<16xf32>
    %div3A_911 = arith.constant 1.000000e+00 : f32
    %div3A_912 = vector.broadcast %div3A_911 : f32 to vector<16xf32>
    %div3A_913 = arith.divf %div3A_912, %add3A_910 : vector<16xf32>
    %swap3A_914 = arith.constant 400 : index
    %swap3A_915 = tpu.vector_load %arg8[%swap3A_914] {strides = array<i32>} : memref<512xf32, #tpu.memory_space<vmem>>, vector<16xf32>,
    %swap3A_916 = vector.shape_cast %swap3A_915 : vector<16xf32> to vector<16xf32>
    %swap3A_917 = vector.shape_cast %div3A_913 : vector<16xf32> to vector<16xf32>
    tpu.vector_store %arg8[%swap3A_914], %swap3A_917 {strides = array<i32>} : memref<512xf32, #tpu.memory_space<vmem>>, vector<16xf32>,
    %get3A_918 = arith.constant 416 : index
    %get3A_919 = tpu.vector_load %arg8[%get3A_918] {strides = array<i32>} : memref<512xf32, #tpu.memory_space<vmem>>, vector<16xf32>,
    %get3A_920 = vector.shape_cast %get3A_919 : vector<16xf32> to vector<16xf32>
    %neg3A_921 = arith.constant 0.000000e+00 : f32
    %neg3A_922 = vector.broadcast %neg3A_921 : f32 to vector<16xf32>
    %neg3A_923 = arith.subf %neg3A_922, %get3A_920 : vector<16xf32>
    %exp3A_924 = math.exp %neg3A_923 : vector<16xf32>
    %add3A_925 = arith.constant 1.000000e+00 : f32
    %add3A_926 = vector.broadcast %add3A_925 : f32 to vector<16xf32>
    %add3A_927 = arith.addf %add3A_926, %exp3A_924 : vector<16xf32>
    %div3A_928 = arith.constant 1.000000e+00 : f32
    %div3A_929 = vector.broadcast %div3A_928 : f32 to vector<16xf32>
    %div3A_930 = arith.divf %div3A_929, %add3A_927 : vector<16xf32>
    %swap3A_931 = arith.constant 416 : index
    %swap3A_932 = tpu.vector_load %arg8[%swap3A_931] {strides = array<i32>} : memref<512xf32, #tpu.memory_space<vmem>>, vector<16xf32>,
    %swap3A_933 = vector.shape_cast %swap3A_932 : vector<16xf32> to vector<16xf32>
    %swap3A_934 = vector.shape_cast %div3A_930 : vector<16xf32> to vector<16xf32>
    tpu.vector_store %arg8[%swap3A_931], %swap3A_934 {strides = array<i32>} : memref<512xf32, #tpu.memory_space<vmem>>, vector<16xf32>,
    %get3A_935 = arith.constant 432 : index
    %get3A_936 = tpu.vector_load %arg8[%get3A_935] {strides = array<i32>} : memref<512xf32, #tpu.memory_space<vmem>>, vector<16xf32>,
    %get3A_937 = vector.shape_cast %get3A_936 : vector<16xf32> to vector<16xf32>
    %neg3A_938 = arith.constant 0.000000e+00 : f32
    %neg3A_939 = vector.broadcast %neg3A_938 : f32 to vector<16xf32>
    %neg3A_940 = arith.subf %neg3A_939, %get3A_937 : vector<16xf32>
    %exp3A_941 = math.exp %neg3A_940 : vector<16xf32>
    %add3A_942 = arith.constant 1.000000e+00 : f32
    %add3A_943 = vector.broadcast %add3A_942 : f32 to vector<16xf32>
    %add3A_944 = arith.addf %add3A_943, %exp3A_941 : vector<16xf32>
    %div3A_945 = arith.constant 1.000000e+00 : f32
    %div3A_946 = vector.broadcast %div3A_945 : f32 to vector<16xf32>
    %div3A_947 = arith.divf %div3A_946, %add3A_944 : vector<16xf32>
    %swap3A_948 = arith.constant 432 : index
    %swap3A_949 = tpu.vector_load %arg8[%swap3A_948] {strides = array<i32>} : memref<512xf32, #tpu.memory_space<vmem>>, vector<16xf32>,
    %swap3A_950 = vector.shape_cast %swap3A_949 : vector<16xf32> to vector<16xf32>
    %swap3A_951 = vector.shape_cast %div3A_947 : vector<16xf32> to vector<16xf32>
    tpu.vector_store %arg8[%swap3A_948], %swap3A_951 {strides = array<i32>} : memref<512xf32, #tpu.memory_space<vmem>>, vector<16xf32>,
    %get3A_952 = arith.constant 448 : index
    %get3A_953 = tpu.vector_load %arg8[%get3A_952] {strides = array<i32>} : memref<512xf32, #tpu.memory_space<vmem>>, vector<16xf32>,
    %get3A_954 = vector.shape_cast %get3A_953 : vector<16xf32> to vector<16xf32>
    %neg3A_955 = arith.constant 0.000000e+00 : f32
    %neg3A_956 = vector.broadcast %neg3A_955 : f32 to vector<16xf32>
    %neg3A_957 = arith.subf %neg3A_956, %get3A_954 : vector<16xf32>
    %exp3A_958 = math.exp %neg3A_957 : vector<16xf32>
    %add3A_959 = arith.constant 1.000000e+00 : f32
    %add3A_960 = vector.broadcast %add3A_959 : f32 to vector<16xf32>
    %add3A_961 = arith.addf %add3A_960, %exp3A_958 : vector<16xf32>
    %div3A_962 = arith.constant 1.000000e+00 : f32
    %div3A_963 = vector.broadcast %div3A_962 : f32 to vector<16xf32>
    %div3A_964 = arith.divf %div3A_963, %add3A_961 : vector<16xf32>
    %swap3A_965 = arith.constant 448 : index
    %swap3A_966 = tpu.vector_load %arg8[%swap3A_965] {strides = array<i32>} : memref<512xf32, #tpu.memory_space<vmem>>, vector<16xf32>,
    %swap3A_967 = vector.shape_cast %swap3A_966 : vector<16xf32> to vector<16xf32>
    %swap3A_968 = vector.shape_cast %div3A_964 : vector<16xf32> to vector<16xf32>
    tpu.vector_store %arg8[%swap3A_965], %swap3A_968 {strides = array<i32>} : memref<512xf32, #tpu.memory_space<vmem>>, vector<16xf32>,
    %get3A_969 = arith.constant 464 : index
    %get3A_970 = tpu.vector_load %arg8[%get3A_969] {strides = array<i32>} : memref<512xf32, #tpu.memory_space<vmem>>, vector<16xf32>,
    %get3A_971 = vector.shape_cast %get3A_970 : vector<16xf32> to vector<16xf32>
    %neg3A_972 = arith.constant 0.000000e+00 : f32
    %neg3A_973 = vector.broadcast %neg3A_972 : f32 to vector<16xf32>
    %neg3A_974 = arith.subf %neg3A_973, %get3A_971 : vector<16xf32>
    %exp3A_975 = math.exp %neg3A_974 : vector<16xf32>
    %add3A_976 = arith.constant 1.000000e+00 : f32
    %add3A_977 = vector.broadcast %add3A_976 : f32 to vector<16xf32>
    %add3A_978 = arith.addf %add3A_977, %exp3A_975 : vector<16xf32>
    %div3A_979 = arith.constant 1.000000e+00 : f32
    %div3A_980 = vector.broadcast %div3A_979 : f32 to vector<16xf32>
    %div3A_981 = arith.divf %div3A_980, %add3A_978 : vector<16xf32>
    %swap3A_982 = arith.constant 464 : index
    %swap3A_983 = tpu.vector_load %arg8[%swap3A_982] {strides = array<i32>} : memref<512xf32, #tpu.memory_space<vmem>>, vector<16xf32>,
    %swap3A_984 = vector.shape_cast %swap3A_983 : vector<16xf32> to vector<16xf32>
    %swap3A_985 = vector.shape_cast %div3A_981 : vector<16xf32> to vector<16xf32>
    tpu.vector_store %arg8[%swap3A_982], %swap3A_985 {strides = array<i32>} : memref<512xf32, #tpu.memory_space<vmem>>, vector<16xf32>,
    %get3A_986 = arith.constant 480 : index
    %get3A_987 = tpu.vector_load %arg8[%get3A_986] {strides = array<i32>} : memref<512xf32, #tpu.memory_space<vmem>>, vector<16xf32>,
    %get3A_988 = vector.shape_cast %get3A_987 : vector<16xf32> to vector<16xf32>
    %neg3A_989 = arith.constant 0.000000e+00 : f32
    %neg3A_990 = vector.broadcast %neg3A_989 : f32 to vector<16xf32>
    %neg3A_991 = arith.subf %neg3A_990, %get3A_988 : vector<16xf32>
    %exp3A_992 = math.exp %neg3A_991 : vector<16xf32>
    %add3A_993 = arith.constant 1.000000e+00 : f32
    %add3A_994 = vector.broadcast %add3A_993 : f32 to vector<16xf32>
    %add3A_995 = arith.addf %add3A_994, %exp3A_992 : vector<16xf32>
    %div3A_996 = arith.constant 1.000000e+00 : f32
    %div3A_997 = vector.broadcast %div3A_996 : f32 to vector<16xf32>
    %div3A_998 = arith.divf %div3A_997, %add3A_995 : vector<16xf32>
    %swap3A_999 = arith.constant 480 : index
    %swap3A_1000 = tpu.vector_load %arg8[%swap3A_999] {strides = array<i32>} : memref<512xf32, #tpu.memory_space<vmem>>, vector<16xf32>,
    %swap3A_1001 = vector.shape_cast %swap3A_1000 : vector<16xf32> to vector<16xf32>
    %swap3A_1002 = vector.shape_cast %div3A_998 : vector<16xf32> to vector<16xf32>
    tpu.vector_store %arg8[%swap3A_999], %swap3A_1002 {strides = array<i32>} : memref<512xf32, #tpu.memory_space<vmem>>, vector<16xf32>,
    %get3A_1003 = arith.constant 496 : index
    %get3A_1004 = tpu.vector_load %arg8[%get3A_1003] {strides = array<i32>} : memref<512xf32, #tpu.memory_space<vmem>>, vector<16xf32>,
    %get3A_1005 = vector.shape_cast %get3A_1004 : vector<16xf32> to vector<16xf32>
    %neg3A_1006 = arith.constant 0.000000e+00 : f32
    %neg3A_1007 = vector.broadcast %neg3A_1006 : f32 to vector<16xf32>
    %neg3A_1008 = arith.subf %neg3A_1007, %get3A_1005 : vector<16xf32>
    %exp3A_1009 = math.exp %neg3A_1008 : vector<16xf32>
    %add3A_1010 = arith.constant 1.000000e+00 : f32
    %add3A_1011 = vector.broadcast %add3A_1010 : f32 to vector<16xf32>
    %add3A_1012 = arith.addf %add3A_1011, %exp3A_1009 : vector<16xf32>
    %div3A_1013 = arith.constant 1.000000e+00 : f32
    %div3A_1014 = vector.broadcast %div3A_1013 : f32 to vector<16xf32>
    %div3A_1015 = arith.divf %div3A_1014, %add3A_1012 : vector<16xf32>
    %swap3A_1016 = arith.constant 496 : index
    %swap3A_1017 = tpu.vector_load %arg8[%swap3A_1016] {strides = array<i32>} : memref<512xf32, #tpu.memory_space<vmem>>, vector<16xf32>,
    %swap3A_1018 = vector.shape_cast %swap3A_1017 : vector<16xf32> to vector<16xf32>
    %swap3A_1019 = vector.shape_cast %div3A_1015 : vector<16xf32> to vector<16xf32>
    tpu.vector_store %arg8[%swap3A_1016], %swap3A_1019 {strides = array<i32>} : memref<512xf32, #tpu.memory_space<vmem>>, vector<16xf32>,
    %dma_start3A_1020 = tpu.memref_slice %arg5[%mul3A_2] : memref<16384xf32, #tpu.memory_space<hbm>> -> memref<512xf32, #tpu.memory_space<hbm>>
    %dma_start3A_1021 = tpu.memref_slice %arg5[%mul3A_2] : memref<16384xf32, #tpu.memory_space<hbm>> -> memref<512xf32, #tpu.memory_space<hbm>>
    tpu.enqueue_dma source(%arg8 : memref<512xf32, #tpu.memory_space<vmem>>) target(%dma_start3A_1021 : memref<512xf32, #tpu.memory_space<hbm>>) target_semaphore(%arg13 : memref<!tpu.dma_semaphore, #tpu.memory_space<semaphore_mem>>)
    %dma_wait3A_1022 = tpu.memref_slice %arg5[%mul3A_2] : memref<16384xf32, #tpu.memory_space<hbm>> -> memref<512xf32, #tpu.memory_space<hbm>>
    %dma_wait3A_1023 = tpu.memref_slice %arg5[%mul3A_2] : memref<16384xf32, #tpu.memory_space<hbm>> -> memref<512xf32, #tpu.memory_space<hbm>>
    tpu.wait_dma2 semaphore(%arg13 : memref<!tpu.dma_semaphore, #tpu.memory_space<semaphore_mem>>) src(%arg8 : memref<512xf32, #tpu.memory_space<vmem>>) dst(%dma_wait3A_1023 : memref<512xf32, #tpu.memory_space<hbm>>)
    return
  }
}

</mosaic_0001>

<sc_bundles>
// kernel: kernel.3.cloned.1.call-start
scs
__scs_entry_jumppad:
0x0: {  	(pc) =	sbr.rel $0x88, $3  }
0x1: {  	(tag) =	ssettag $0x0;
	lr =	simm.s32 $0x1  }
0x2: {  	[smem:$0x3F9E] =	sst lr;
	_ =	strace $0xD0000000  }
0x3: {  	_ = 	snop  }
0x4: {  	_ = 	snop  }
0x5: {  	_ = 	snop  }
0x6: {  	_ = 	snop  }
0x7: {  	_ = 	snop  }
__scs_overlays_trampoline_lowered:
0x8: {  	[smem:$0x3FAD] =	sst s0  }
0x9: {  	[smem:$0x3FAE] =	sst s1  }
0xa: {  	[smem:$0x3FAF] =	sst s2  }
0xb: {  	[smem:$0x3FB0] =	sst s3  }
0xc: {  	[smem:$0x3FB1] =	sst s4  }
0xd: {  	[smem:$0x3FB2] =	sst s5  }
0xe: {  	[smem:$0x3FB3] =	sst s6  }
0xf: {  	[smem:$0x3FB4] =	sst s7  }
0x10: {  	[smem:$0x3FB5] =	sst s8  }
0x11: {  	[smem:$0x3FB6] =	sst s9;
	s0 =	simm.s32 @!p0 $0x0  }
0x12: {  	s1 =	sld [smem:$0x3F9C];
	s0 =	simm.s32 @p0 $0x1  }
0x13: {  	[smem:$0x3FB7] =	sst s0;
	s0 =	simm.s32 @!p1 $0x0  }
0x14: {  	s2 =	sld [smem:$0x3F9B];
	s0 =	simm.s32 @p1 $0x1  }
0x15: {  	[smem:$0x3FB8] =	sst s0;
	s0 =	simm.s32 @!p2 $0x0  }
0x16: {  	s3 =	sld [smem:$0x3FDB];
	s0 =	simm.s32 @p2 $0x1  }
0x17: {  	s4 =	simm.s32 $0x1BF5;
	[smem:$0x3FBA] =	sst s0  }
0x18: {  	s0 =	sld [smem:$0x3F9D];
	_ =	swait.ge [sflag:s4], $0x0  }
0x19: {  	s7 =	sld [smem:$0x3F9E]  }
0x1a: {  	s8 =	sadd.s32 $0xFFFFE003, lr  }
0x1b: {  	s9 =	sadd.s32 $0xFFFFFEF7, lr;
	s5 =	simm.s32 $0xFFFFFFFF;
	p2 =	slt.u32 s8, $0xFFFFF086  }
0x1c: {  	p1 =	slt.u32 s9, $0xF7A;
	s5 =	simm.s32 @!p2 $0x0  }
0x1d: {  	s5 =	simm.s32 @p1 $0x1;
	p0 =	seq.s32 s7, s2  }
0x1e: {  	s7 =	smul.u32 @!p0 $0xF7A, s2;
	p2 =	seq.s32 @!p0 s5, $0x0  }
0x1f: {  	s9 =	smul.u32 $0xF7A, s1;
	s8 =	simm.s32 @!p0 $0x1BF5;
	p2 =	por !p2, p0  }
0x20: {  	[sflag:s8] =	ssyncset.s32 @!p0 $0xFFFFF086;
	s6 =	sadd.s32 @!p0 s3, s7;
	s7 =	simm.s32 @!p0 $0x108  }
0x21: {  	s3 =	sadd.s32 s3, s9;
	s6 =	sadd.s32 @!p0 $0x88, s6;
	s7 =	simm.s32 @p2 $0x1082  }
0x22: {  	[simem:s7], [sflag:s8] =	dma.local @!p0 [hbm:s6], $0xF7A  }
0x23: {  	s9 =	sor.u32 $0xD0000000, s2;
	s6 =	simm.s32 $0x108;
	_ =	swait.ge @!p0 [sflag:s8], $0x0  }
0x24: {  	s3 =	sadd.s32 $0x88, s3;
	s6 =	simm.s32 @!p1 $0x1082;
	[sflag:s4] =	ssyncset.s32 $0xFFFFF086  }
0x25: {  	[simem:s6], [sflag:s4] =	dma.local [hbm:s3], $0xF7A  }
0x26: {  	[smem:$0x3F9E] =	sst s1;
	(tag) =	ssettag s2;
	_ =	strace s9  }
0x27: {  	s1 =	sld [smem:$0x3FAE]  }
0x28: {  	s2 =	sld [smem:$0x3FAF]  }
0x29: {  	s4 =	sld [smem:$0x3FB1]  }
0x2a: {  	p0 =	seq.s32 s5, $0x0;
	s5 =	sld [smem:$0x3FB2]  }
0x2b: {  	s6 =	sld [smem:$0x3FB3]  }
0x2c: {  	s7 =	sld [smem:$0x3FB4]  }
0x2d: {  	s3 =	simm.s32 $0x108;
	s8 =	sld [smem:$0x3FB5]  }
0x2e: {  	s3 =	simm.s32 @!p0 $0x1082;
	s9 =	sld [smem:$0x3FB6]  }
0x2f: {  	lr =	sadd.s32 s0, s3;
	s0 =	sld [smem:$0x3FAD]  }
0x30: {  	s3 =	sld [smem:$0x3FB0]  }
0x31: {  	[smem:$0x3FB9] =	sst s10  }
0x32: {  	s10 =	sld [smem:$0x3FB7];
	_ =	sdelay $0x3  }
0x33: {  	p0 =	seq.s32 s10, $0x1;
	s10 =	sld [smem:$0x3FB9];
	_ =	sdelay $0x3  }
0x34: {  	[smem:$0x3FB9] =	sst s10  }
0x35: {  	s10 =	sld [smem:$0x3FB8];
	_ =	sdelay $0x3  }
0x36: {  	p1 =	seq.s32 s10, $0x1;
	s10 =	sld [smem:$0x3FB9];
	_ =	sdelay $0x3  }
0x37: {  	[smem:$0x3FB9] =	sst s10  }
0x38: {  	s10 =	sld [smem:$0x3FBA]  }
0x39: {  	_ = 	snop;
	(pc) =	sbr.ind lr, $3  }
0x3a: {  	_ = 	snop  }
0x3b: {  	_ = 	snop  }
0x3c: {  	p2 =	seq.s32 s10, $0x1;
	s10 =	sld [smem:$0x3FB9]  }
0x3d: {  	_ =	shalt  }
0x3e: {  	_ =	shalt  }
0x3f: {  	_ =	shalt  }
0x40: {  	_ =	shalt  }
0x41: {  	_ =	shalt  }
0x42: {  	_ =	shalt  }
0x43: {  	_ =	shalt  }
0x44: {  	_ =	shalt  }
0x45: {  	_ =	shalt  }
0x46: {  	_ =	shalt  }
0x47: {  	_ =	shalt  }
0x48: {  	_ =	shalt  }
0x49: {  	_ =	shalt  }
0x4a: {  	_ =	shalt  }
0x4b: {  	_ =	shalt  }
0x4c: {  	_ =	shalt  }
0x4d: {  	_ =	shalt  }
0x4e: {  	_ =	shalt  }
0x4f: {  	_ =	shalt  }
0x50: {  	_ =	shalt  }
0x51: {  	_ =	shalt  }
0x52: {  	_ =	shalt  }
0x53: {  	_ =	shalt  }
0x54: {  	_ =	shalt  }
0x55: {  	_ =	shalt  }
0x56: {  	_ =	shalt  }
0x57: {  	_ =	shalt  }
0x58: {  	_ =	shalt  }
0x59: {  	_ =	shalt  }
0x5a: {  	_ =	shalt  }
0x5b: {  	_ =	shalt  }
0x5c: {  	_ =	shalt  }
0x5d: {  	_ =	shalt  }
0x5e: {  	_ =	shalt  }
0x5f: {  	_ =	shalt  }
0x60: {  	_ =	shalt  }
0x61: {  	_ =	shalt  }
0x62: {  	_ =	shalt  }
0x63: {  	_ =	shalt  }
0x64: {  	_ =	shalt  }
0x65: {  	_ =	shalt  }
0x66: {  	_ =	shalt  }
0x67: {  	_ =	shalt  }
0x68: {  	_ =	shalt  }
0x69: {  	_ =	shalt  }
0x6a: {  	_ =	shalt  }
0x6b: {  	_ =	shalt  }
0x6c: {  	_ =	shalt  }
0x6d: {  	_ =	shalt  }
0x6e: {  	_ =	shalt  }
0x6f: {  	_ =	shalt  }
0x70: {  	_ =	shalt  }
0x71: {  	_ =	shalt  }
0x72: {  	_ =	shalt  }
0x73: {  	_ =	shalt  }
0x74: {  	_ =	shalt  }
0x75: {  	_ =	shalt  }
0x76: {  	_ =	shalt  }
0x77: {  	_ =	shalt  }
0x78: {  	_ =	shalt  }
0x79: {  	_ =	shalt  }
0x7a: {  	_ =	shalt  }
0x7b: {  	_ =	shalt  }
0x7c: {  	_ =	shalt  }
0x7d: {  	_ =	shalt  }
0x7e: {  	_ =	shalt  }
0x7f: {  	_ =	shalt  }
0x80: {  	_ =	shalt  }
0x81: {  	_ =	shalt  }
0x82: {  	_ =	shalt  }
0x83: {  	_ =	shalt  }
0x84: {  	_ =	shalt  }
0x85: {  	_ =	shalt  }
0x86: {  	_ =	shalt  }
0x87: {  	_ =	shalt  }
.Lfunc_end0:
.L_simem_size_0:
called_computation_lowered:
.L_overlay_start_0:
0x88: {  	s2 =	sld [smem:$0x3FD9]  }
0x89: {  	s3 =	sld [smem:$0x3FFE];
	_ =	sdelay $0x1  }
0x8a: {  	s1 =	srdreg.scid  }
0x8b: {  	s0 =	sand.u32 $0x1, s1  }
0x8c: {  	s17 =	sshll.u32 s0, $0xA;
	s2 =	sadd.s32 s3, s2  }
0x8d: {  	s2 =	sadd.s32 s2, s17  }
0x8e: {  	[smem:$0x3FC5] =	sst s2  }
0x8f: {  	_ = 	snop  }
0x90: {  	s2 =	sld [smem:$0x3FC9]  }
0x91: {  	s18 =	sld [smem:$0x3FC8]  }
0x92: {  	s4 =	sld [smem:$0x3FD0];
	(tm) =	ssettm $0x1  }
0x93: {  	s5 =	sld [smem:$0x3FFB];
	_ =	sdelay $0x3  }
0x94: {  	_ =	strace s5  }
0x95: {  	s5 =	sld [smem:$0x3FFC];
	_ =	sdelay $0x3  }
0x96: {  	_ =	strace s5  }
0x97: {  	s5 =	sld [smem:$0x3FFD];
	_ =	sdelay $0x3  }
0x98: {  	_ =	strace s5  }
0x99: {  	_ =	strace $0x8FFFFFFF  }
0x9a: {  	s19 =	sld [smem:$0x3FDB];
	_ =	sdelay $0x1  }
0x9b: {  	s6 =	simm.s32 $_scs_section_size  }
0x9c: {  	s7 =	simm.s32 $_size__tile_overlayer_lowered;
	s8 =	simm.s32 $_tile_overlayer_lowered  }
0x9d: {  	s22 =	simm.s32 $0x1BFF;
	s21 =	sshll.u32 s8, $0x1;
	s5 =	sadd.s32 s6, s19  }
0x9e: {  	s9 =	simm.s32 $0x0;
	s20 =	sshll.u32 s7, $0x1;
	s7 =	sadd.s32 s21, s5  }
0x9f: {  	[timem:s9], [sflag:s22] =	dma.local [hbm:s7], s20  }
0xa0: {  	_ =	swait.ge [sflag:s22], s20  }
0xa1: {  	s6 =	ssub.s32 $0x0, s20;
	[sflag:s22] =	ssyncset.done $0x0  }
0xa2: {  	[sflag:s22] =	ssyncadd.s32 s6;
	_ =	sdelay $0x1  }
0xa3: {  	s23 =	simm.s32 $0x1B8B  }
0xa4: {  	_ =	swait.ge [sflag:s23], $0x1  }
0xa5: {  	[sflag:s23] =	ssyncset.done $0x0  }
0xa6: {  	s25 =	simm.s32 $0x1B8E;
	s24 =	sld [smem:$0x3FFE];
	[sflag:s23] =	ssyncadd.s32 $0xFFFFFFFF  }
0xa7: {  	s26 =	simm.s32 $execute0_lowered;
	[smem:$0x3FD2] =	sst s25  }
0xa8: {  	s7 =	sshll.u32 s26, $0x1;
	_ =	strace $0x80000046;
	[dreg:$0x1] =	wrdreg $0xFFFFFFFF  }
0xa9: {  	s28 =	simm.s32 $_size_execute0_lowered;
	s5 =	sadd.s32 s5, s7;
	[dreg:$0x0] =	wrdreg $0x0  }
0xaa: {  	s7 =	sshll.u32 s28, $0x1;
	[dreg:$0x2] =	wrdreg s5  }
0xab: {  	[dreg:$0x3] =	wrdreg s7  }
0xac: {  	[dreg:$0x4] =	wrdreg $0xC0  }
0xad: {  	_ =	task [dreg:s9], $0x5FFFF  }
0xae: {  	[dreg:$0x1] =	wrdreg $0xFFFFFFFF  }
0xaf: {  	[dreg:$0x0] =	wrdreg $0x60  }
0xb0: {  	[dreg:$0x2] =	wrdreg s2  }
0xb1: {  	[dreg:$0x3] =	wrdreg s18  }
0xb2: {  	[dreg:$0x4] =	wrdreg s24  }
0xb3: {  	[dreg:$0x5] =	wrdreg s4  }
0xb4: {  	[dreg:$0x6] =	wrdreg $0x9  }
0xb5: {  	_ =	task.clear_ibuf [dreg:s9], $0x7FFFF;
	_ =	strace $0x90000046  }
0xb6: {  	s29 =	simm.s32 $0x9;
	_ =	strace $0x80000048  }
0xb7: {  	_ =	swait.ge [sflag:s29], $0x1  }
0xb8: {  	[sflag:s29] =	ssyncadd.s32 $0xFFFFFFFF  }
0xb9: {  	_ =	strace $0x90000048  }
0xba: {  	_ =	sfence  }
0xbb: {  	s30 =	sld [smem:$0x0];
	_ =	sdelay $0x2  }
0xbc: {  	s31 =	sshll.u32 s1, $0xD;
	s1 =	sshrl.u32 s1, $0x2  }
0xbd: {  	s3 =	sand.u32 $0x4000, s31;
	s1 =	sadd.s32 s1, s30  }
0xbe: {  	s0 =	sor.u32 s3, s0;
	s1 =	sshll.u32 s1, $0x11  }
0xbf: {  	s0 =	sor.u32 s1, s0  }
0xc0: {  	s0 =	sadd.s32 $0x8F2B, s0  }
0xc1: {  	[sflag:s0] =	ssyncadd.remote.s32 $0x1  }
0xc2: {  	_ =	sfence.sel $0xFFFF  }
0xc3: {  	[dreg:$0x0] =	wrdreg $0xFFFFFFFF;
	(pc) =	sbr.abs _section_cstart, $3  }
0xc4: {  	[dreg:$0x1] =	wrdreg $0xFFFFFFFF  }
0xc5: {  	_ =	task.clear_ibuf [dreg:s9], $0x2FFFF;
	_ =	strace $0x9FFFFFFF  }
0xc6: {  	(tm) =	ssettm $0x7FFFFFFF  }
0xc7: {  	_ =	shalt  }
tec
execute0_lowered:
.L_overlay_start_1:
0x0: {  	(tag) =	ssettag $0x1  }
0x1: {  	s4 =	rddreg [dreg:$0x0]  }
0x2: {  	s5 =	rddreg [dreg:$0x1]  }
0x3: {  	s3 =	rddreg [dreg:$0x2]  }
0x4: {  	s6 =	rddreg [dreg:$0x3]  }
0x5: {  	s0 =	rddreg [dreg:$0x4]  }
0x6: {  	s2 =	simm.s32 $0x0;
	s7 =	srdreg.scid;
	s1 =	stileid.u32  }
0x7: {  	s11 =	simm.s32 $0x100;
	s12 =	simm.s32 $0x400;
	s13 =	simm.s32 $0x300  }
0x8: {  	s14 =	simm.s32 $0x500;
	s15 =	simm.s32 $0x3;
	s16 =	simm.s32 $0x4  }
0x9: {  	s17 =	simm.s32 $0x5;
	[smem:$0x7FF] =	sst s2;
	s7 =	sand.u32 $0x1, s7  }
0xa: {  	s9 =	sshll.u32 s1, $0x7;
	s3 =	sadd.s32 $0x400, s3;
	s8 =	ssub.s32 $0x2, s7  }
0xb: {  	_ =	strace $0x80000047;
	s7 =	sshll.u32 s7, $0x6;
	s10 =	sshrl.u32 s8, $0x1  }
0xc: {  	s7 =	sor.u32 s7, s9;
	s9 =	simm.s32 $0x1;
	s8 =	ssub.s32 s8, s10  }
0xd: {  	s4 =	sadd.s32 s4, s7;
	s5 =	sadd.s32 s5, s7;
	s6 =	sadd.s32 s6, s7  }
0xe: {  	s10 =	simm.s32 $0x2;
	s7 =	smax.u32 s8, $0x1;
	s8 =	simm.s32 $0x200  }
.LBB2_1:
0xf: {  	[tilespmem:s2], [sflag:$0x1] =	stream.linear.gather [hbm4b:s4+s2], $0x200, $0x38;
	[tilespmem:$0x600] =	vst v63  }
0x10: {  	_ = 	snop  }
0x11: {  	[tilespmem:s8], [sflag:$0x2] =	stream.linear.gather [hbm4b:s5+s2], $0x200, $0x38;
	[tilespmem:$0x600] =	vst v63  }
0x12: {  	_ =	swait.ge [sflag:s9], $0x200  }
0x13: {  	[sflag:s9] =	ssyncset.done $0x0  }
0x14: {  	[sflag:s9] =	ssyncadd.s32 $0xFFFFFE00  }
0x15: {  	_ =	swait.ge [sflag:s10], $0x200  }
0x16: {  	[sflag:s10] =	ssyncset.done $0x0  }
0x17: {  	[sflag:s10] =	ssyncadd.s32 $0xFFFFFE00  }
0x18: {  	v0 =	vld [tilespmem:$0x0]  }
0x19: {  	v1 =	vld [tilespmem:$0x200]  }
0x1a: {  	v2 =	vld [tilespmem:$0x10]  }
0x1b: {  	v3 =	vld [tilespmem:$0x210]  }
0x1c: {  	v4 =	vld [tilespmem:$0x20]  }
0x1d: {  	v5 =	vld [tilespmem:$0x220]  }
0x1e: {  	v6 =	vld [tilespmem:$0x30]  }
0x1f: {  	v7 =	vld [tilespmem:$0x230]  }
0x20: {  	v8 =	vld [tilespmem:$0x40]  }
0x21: {  	v9 =	vld [tilespmem:$0x240]  }
0x22: {  	v10 =	vld [tilespmem:$0x50]  }
0x23: {  	v11 =	vld [tilespmem:$0x250]  }
0x24: {  	v12 =	vld [tilespmem:$0x60]  }
0x25: {  	v13 =	vld [tilespmem:$0x260]  }
0x26: {  	v14 =	vld [tilespmem:$0x70]  }
0x27: {  	v15 =	vld [tilespmem:$0x270]  }
0x28: {  	v16 =	vld [tilespmem:$0x80]  }
0x29: {  	v17 =	vld [tilespmem:$0x280]  }
0x2a: {  	v18 =	vld [tilespmem:$0x90]  }
0x2b: {  	v19 =	vld [tilespmem:$0x290]  }
0x2c: {  	v20 =	vld [tilespmem:$0xA0]  }
0x2d: {  	v21 =	vld [tilespmem:$0x2A0]  }
0x2e: {  	v22 =	vld [tilespmem:$0xB0]  }
0x2f: {  	v23 =	vld [tilespmem:$0x2B0]  }
0x30: {  	v24 =	vld [tilespmem:$0xC0]  }
0x31: {  	v25 =	vld [tilespmem:$0x2C0]  }
0x32: {  	v26 =	vld [tilespmem:$0xD0]  }
0x33: {  	v27 =	vld [tilespmem:$0x2D0]  }
0x34: {  	v28 =	vld [tilespmem:$0xE0]  }
0x35: {  	v29 =	vld [tilespmem:$0x2E0]  }
0x36: {  	v30 =	vld [tilespmem:$0xF0]  }
0x37: {  	v31 =	vld [tilespmem:$0x2F0]  }
0x38: {  	v32 =	vld [tilespmem:$0x100]  }
0x39: {  	v33 =	vld [tilespmem:$0x300]  }
0x3a: {  	v34 =	vld [tilespmem:$0x110]  }
0x3b: {  	v35 =	vld [tilespmem:$0x310];
	v0 =	vmul.u32 $0x3E8, v0  }
0x3c: {  	v36 =	vld [tilespmem:$0x120];
	v2 =	vmul.u32 $0x3E8, v2  }
0x3d: {  	v58 =	vld [tilespmem:$0x140];
	v51 =	vmul.u32 $0x3E8, v4;
	v0 =	vadd.s32 v1, v0  }
0x3e: {  	v63 =	vld [tilespmem:$0x150];
	v53 =	vmul.u32 $0x3E8, v6;
	v52 =	vadd.s32 v3, v2;
	[tilespmem:$0x200] =	vst v0  }
0x3f: {  	v38 =	vld [tilespmem:$0x180];
	v55 =	vmul.u32 $0x3E8, v8;
	v54 =	vadd.s32 v5, v51;
	[tilespmem:$0x210] =	vst v52  }
0x40: {  	v41 =	vld [tilespmem:$0x380];
	v57 =	vmul.u32 $0x3E8, v10;
	v56 =	vadd.s32 v7, v53;
	[tilespmem:$0x220] =	vst v54  }
0x41: {  	v44 =	vld [tilespmem:$0x190];
	v60 =	vmul.u32 $0x3E8, v12;
	v59 =	vadd.s32 v9, v55;
	[tilespmem:$0x230] =	vst v56  }
0x42: {  	v47 =	vld [tilespmem:$0x390];
	v62 =	vmul.u32 $0x3E8, v14;
	v61 =	vadd.s32 v11, v57;
	[tilespmem:$0x240] =	vst v59  }
0x43: {  	v50 =	vld [tilespmem:$0x1A0];
	v14 =	vmul.u32 $0x3E8, v16;
	v13 =	vadd.s32 v13, v60;
	[tilespmem:$0x250] =	vst v61  }
0x44: {  	v4 =	vld [tilespmem:$0x320];
	v16 =	vmul.u32 $0x3E8, v18;
	v15 =	vadd.s32 v15, v62;
	[tilespmem:$0x260] =	vst v13  }
0x45: {  	v10 =	vld [tilespmem:$0x160];
	v18 =	vmul.u32 $0x3E8, v20;
	v17 =	vadd.s32 v17, v14;
	[tilespmem:$0x270] =	vst v15  }
0x46: {  	v20 =	vmul.u32 $0x3E8, v22;
	v12 =	vld [tilespmem:$0x170];
	v19 =	vadd.s32 v19, v16;
	[tilespmem:$0x280] =	vst v17  }
0x47: {  	v22 =	vmul.u32 $0x3E8, v24;
	v43 =	vmul.u32 $0x3E8, v30;
	v30 =	vld [tilespmem:$0x1E0];
	v21 =	vadd.s32 v21, v18;
	[tilespmem:$0x290] =	vst v19  }
0x48: {  	v37 =	vmul.u32 $0x3E8, v26;
	v3 =	vld [tilespmem:$0x130];
	v24 =	vadd.s32 v23, v20;
	[tilespmem:$0x2A0] =	vst v21  }
0x49: {  	v40 =	vmul.u32 $0x3E8, v28;
	v5 =	vld [tilespmem:$0x330];
	v39 =	vadd.s32 v25, v22;
	[tilespmem:$0x2B0] =	vst v24  }
0x4a: {  	v7 =	vld [tilespmem:$0x340];
	v42 =	vadd.s32 v27, v37;
	[tilespmem:$0x2C0] =	vst v39  }
0x4b: {  	v46 =	vmul.u32 $0x3E8, v32;
	v9 =	vld [tilespmem:$0x350];
	v45 =	vadd.s32 v29, v40;
	[tilespmem:$0x2D0] =	vst v42  }
0x4c: {  	v26 =	vmul.u32 $0x3E8, v38;
	v11 =	vld [tilespmem:$0x360];
	v48 =	vadd.s32 v31, v43;
	[tilespmem:$0x2E0] =	vst v45  }
0x4d: {  	v49 =	vmul.u32 $0x3E8, v34;
	v51 =	vadd.s32 v33, v46;
	v53 =	vld [tilespmem:$0x3A0];
	[tilespmem:$0x2F0] =	vst v48  }
0x4e: {  	v62 =	vld [tilespmem:$0x1C0];
	v29 =	vmul.u32 $0x3E8, v44;
	v31 =	vadd.s32 v41, v26;
	[tilespmem:$0x300] =	vst v51  }
0x4f: {  	v33 =	vld [tilespmem:$0x1F0];
	v52 =	vmul.u32 $0x3E8, v36;
	v54 =	vadd.s32 v35, v49;
	[tilespmem:$0x380] =	vst v31  }
0x50: {  	v58 =	vmul.u32 $0x3E8, v58;
	v13 =	vld [tilespmem:$0x370];
	[tilespmem:$0x310] =	vst v54;
	v34 =	vadd.s32 v47, v29  }
0x51: {  	v56 =	vld [tilespmem:$0x1B0];
	v61 =	vmul.u32 $0x3E8, v63;
	v57 =	vadd.s32 v4, v52;
	[tilespmem:$0x390] =	vst v34  }
0x52: {  	v36 =	vld [tilespmem:$0x3E0];
	v20 =	vmul.u32 $0x3E8, v10;
	[tilespmem:$0x320] =	vst v57;
	v63 =	vadd.s32 v7, v58  }
0x53: {  	v32 =	vmul.u32 $0x3E8, v50;
	v21 =	vld [tilespmem:$0x3C0];
	v22 =	vadd.s32 v9, v61;
	[tilespmem:$0x340] =	vst v63  }
0x54: {  	v24 =	vld [tilespmem:$0x1D0];
	v23 =	vmul.u32 $0x3E8, v12;
	v25 =	vadd.s32 v11, v20;
	[tilespmem:$0x350] =	vst v22  }
0x55: {  	v39 =	vld [tilespmem:$0x3F0];
	v43 =	vmul.u32 $0x3E8, v30;
	v37 =	vadd.s32 v53, v32;
	[tilespmem:$0x360] =	vst v25  }
0x56: {  	v59 =	vld [tilespmem:$0x3B0];
	v55 =	vmul.u32 $0x3E8, v3;
	v28 =	vadd.s32 v13, v23;
	[tilespmem:$0x3A0] =	vst v37  }
0x57: {  	v27 =	vld [tilespmem:$0x3D0];
	v38 =	vmul.u32 $0x3E8, v62;
	v46 =	vadd.s32 v36, v43;
	[tilespmem:$0x370] =	vst v28  }
0x58: {  	v45 =	vmul.u32 $0x3E8, v33;
	v60 =	vadd.s32 v5, v55;
	[tilespmem:$0x3E0] =	vst v46  }
0x59: {  	v35 =	vmul.u32 $0x3E8, v56;
	v42 =	vadd.s32 v21, v38;
	[tilespmem:$0x330] =	vst v60  }
0x5a: {  	v41 =	vmul.u32 $0x3E8, v24;
	v47 =	vadd.s32 v39, v45;
	[tilespmem:$0x3C0] =	vst v42  }
0x5b: {  	v40 =	vadd.s32 v59, v35;
	[tilespmem:$0x3F0] =	vst v47  }
0x5c: {  	v44 =	vadd.s32 v27, v41;
	[tilespmem:$0x3B0] =	vst v40  }
0x5d: {  	[tilespmem:$0x3D0] =	vst v44  }
0x5e: {  	[tilespmem:s12], [sflag:$0x3] =	stream.indirect.gather [hbm4b:s3+s11], $0x1, s8, s11, $0xb8;
	[tilespmem:$0x600] =	vst v63  }
0x5f: {  	_ = 	snop  }
0x60: {  	[tilespmem:s14], [sflag:$0x4] =	stream.indirect.gather [hbm4b:s3+s11], $0x1, s13, s11, $0xb8;
	[tilespmem:$0x600] =	vst v63  }
0x61: {  	_ =	swait.ge [sflag:s15], $0x100  }
0x62: {  	[sflag:s15] =	ssyncset.done $0x0  }
0x63: {  	[sflag:s15] =	ssyncadd.s32 $0xFFFFFF00  }
0x64: {  	v48 =	vld [tilespmem:$0x400];
	_ =	sdelay $0x4  }
0x65: {  	v0 =	vsub.f32 $0.0e+00, v48;
	_ =	sdelay $0x1  }
0x66: {  	v0 =	vmul.f32 $1.442695020e+00, v0;
	_ =	sdelay $0x1  }
0x67: {  	(erf) = vpow2.f32 v0;
	_ =	sdelay $0x3  }
0x68: {  	v49 =	vld [tilespmem:$0x410];
	_ =	sdelay $0x4  }
0x69: {  	v0 =	vsub.f32 $0.0e+00, v49;
	v50 =	vpop (erf)  }
0x6a: {  	v1 =	vadd.f32 $1.000000000e+00, v50  }
0x6b: {  	v0 =	vmul.f32 $1.442695020e+00, v0  }
0x6c: {  	(erf) = vrcp.f32 v1  }
0x6d: {  	(erf) = vpow2.f32 v0;
	_ =	sdelay $0x3  }
0x6e: {  	v51 =	vld [tilespmem:$0x420];
	_ =	sdelay $0x3  }
0x6f: {  	v1 =	vpop (erf)  }
0x70: {  	v0 =	vsub.f32 $0.0e+00, v51;
	v52 =	vpop (erf)  }
0x71: {  	v2 =	vadd.f32 $1.000000000e+00, v52  }
0x72: {  	v0 =	vmul.f32 $1.442695020e+00, v0  }
0x73: {  	(erf) = vrcp.f32 v2  }
0x74: {  	(erf) = vpow2.f32 v0;
	_ =	sdelay $0x3  }
0x75: {  	v53 =	vld [tilespmem:$0x430];
	_ =	sdelay $0x3  }
0x76: {  	v2 =	vpop (erf)  }
0x77: {  	v0 =	vsub.f32 $0.0e+00, v53;
	v54 =	vpop (erf)  }
0x78: {  	v3 =	vadd.f32 $1.000000000e+00, v54  }
0x79: {  	v0 =	vmul.f32 $1.442695020e+00, v0  }
0x7a: {  	(erf) = vrcp.f32 v3  }
0x7b: {  	(erf) = vpow2.f32 v0;
	_ =	sdelay $0x3  }
0x7c: {  	v55 =	vld [tilespmem:$0x440];
	_ =	sdelay $0x3  }
0x7d: {  	v3 =	vpop (erf)  }
0x7e: {  	v0 =	vsub.f32 $0.0e+00, v55;
	v56 =	vpop (erf)  }
0x7f: {  	v4 =	vadd.f32 $1.000000000e+00, v56  }
0x80: {  	v0 =	vmul.f32 $1.442695020e+00, v0  }
0x81: {  	(erf) = vrcp.f32 v4  }
0x82: {  	(erf) = vpow2.f32 v0;
	_ =	sdelay $0x3  }
0x83: {  	v57 =	vld [tilespmem:$0x450];
	_ =	sdelay $0x3  }
0x84: {  	v4 =	vpop (erf)  }
0x85: {  	v0 =	vsub.f32 $0.0e+00, v57;
	v58 =	vpop (erf)  }
0x86: {  	v5 =	vadd.f32 $1.000000000e+00, v58  }
0x87: {  	v0 =	vmul.f32 $1.442695020e+00, v0  }
0x88: {  	(erf) = vrcp.f32 v5  }
0x89: {  	(erf) = vpow2.f32 v0;
	_ =	sdelay $0x3  }
0x8a: {  	v59 =	vld [tilespmem:$0x460];
	_ =	sdelay $0x3  }
0x8b: {  	v5 =	vpop (erf)  }
0x8c: {  	v0 =	vsub.f32 $0.0e+00, v59;
	v60 =	vpop (erf)  }
0x8d: {  	v6 =	vadd.f32 $1.000000000e+00, v60  }
0x8e: {  	v0 =	vmul.f32 $1.442695020e+00, v0  }
0x8f: {  	(erf) = vrcp.f32 v6  }
0x90: {  	(erf) = vpow2.f32 v0;
	_ =	sdelay $0x3  }
0x91: {  	v61 =	vld [tilespmem:$0x470];
	_ =	sdelay $0x3  }
0x92: {  	v6 =	vpop (erf)  }
0x93: {  	v0 =	vsub.f32 $0.0e+00, v61;
	v62 =	vpop (erf)  }
0x94: {  	v7 =	vadd.f32 $1.000000000e+00, v62  }
0x95: {  	v0 =	vmul.f32 $1.442695020e+00, v0  }
0x96: {  	(erf) = vrcp.f32 v7  }
0x97: {  	(erf) = vpow2.f32 v0;
	_ =	sdelay $0x3  }
0x98: {  	v63 =	vld [tilespmem:$0x480];
	_ =	sdelay $0x3  }
0x99: {  	v7 =	vpop (erf)  }
0x9a: {  	v0 =	vsub.f32 $0.0e+00, v63;
	v12 =	vpop (erf)  }
0x9b: {  	v8 =	vadd.f32 $1.000000000e+00, v12  }
0x9c: {  	v0 =	vmul.f32 $1.442695020e+00, v0  }
0x9d: {  	(erf) = vrcp.f32 v8  }
0x9e: {  	(erf) = vpow2.f32 v0;
	_ =	sdelay $0x3  }
0x9f: {  	v13 =	vld [tilespmem:$0x490];
	_ =	sdelay $0x3  }
0xa0: {  	v8 =	vpop (erf)  }
0xa1: {  	v0 =	vsub.f32 $0.0e+00, v13;
	v14 =	vpop (erf)  }
0xa2: {  	v9 =	vadd.f32 $1.000000000e+00, v14  }
0xa3: {  	v0 =	vmul.f32 $1.442695020e+00, v0  }
0xa4: {  	(erf) = vrcp.f32 v9  }
0xa5: {  	(erf) = vpow2.f32 v0;
	_ =	sdelay $0x3  }
0xa6: {  	v15 =	vld [tilespmem:$0x4A0];
	_ =	sdelay $0x3  }
0xa7: {  	v9 =	vpop (erf)  }
0xa8: {  	v0 =	vsub.f32 $0.0e+00, v15;
	v16 =	vpop (erf)  }
0xa9: {  	v10 =	vadd.f32 $1.000000000e+00, v16  }
0xaa: {  	v0 =	vmul.f32 $1.442695020e+00, v0  }
0xab: {  	(erf) = vrcp.f32 v10  }
0xac: {  	(erf) = vpow2.f32 v0;
	_ =	sdelay $0x3  }
0xad: {  	v17 =	vld [tilespmem:$0x4B0];
	_ =	sdelay $0x3  }
0xae: {  	v10 =	vpop (erf)  }
0xaf: {  	v0 =	vsub.f32 $0.0e+00, v17;
	v18 =	vpop (erf)  }
0xb0: {  	v11 =	vadd.f32 $1.000000000e+00, v18  }
0xb1: {  	v0 =	vmul.f32 $1.442695020e+00, v0  }
0xb2: {  	(erf) = vrcp.f32 v11  }
0xb3: {  	(erf) = vpow2.f32 v0;
	_ =	sdelay $0x3  }
0xb4: {  	v19 =	vld [tilespmem:$0x4C0];
	_ =	sdelay $0x3  }
0xb5: {  	v11 =	vpop (erf)  }
0xb6: {  	v0 =	vsub.f32 $0.0e+00, v19;
	v20 =	vpop (erf)  }
0xb7: {  	v12 =	vadd.f32 $1.000000000e+00, v20  }
0xb8: {  	v0 =	vmul.f32 $1.442695020e+00, v0  }
0xb9: {  	(erf) = vrcp.f32 v12  }
0xba: {  	(erf) = vpow2.f32 v0;
	_ =	sdelay $0x3  }
0xbb: {  	v21 =	vld [tilespmem:$0x4D0];
	_ =	sdelay $0x3  }
0xbc: {  	v12 =	vpop (erf)  }
0xbd: {  	v0 =	vsub.f32 $0.0e+00, v21;
	v22 =	vpop (erf)  }
0xbe: {  	v13 =	vadd.f32 $1.000000000e+00, v22  }
0xbf: {  	v0 =	vmul.f32 $1.442695020e+00, v0  }
0xc0: {  	(erf) = vrcp.f32 v13  }
0xc1: {  	(erf) = vpow2.f32 v0;
	_ =	sdelay $0x3  }
0xc2: {  	v23 =	vld [tilespmem:$0x4E0];
	_ =	sdelay $0x3  }
0xc3: {  	v13 =	vpop (erf)  }
0xc4: {  	v0 =	vsub.f32 $0.0e+00, v23;
	v24 =	vpop (erf)  }
0xc5: {  	v14 =	vadd.f32 $1.000000000e+00, v24  }
0xc6: {  	v0 =	vmul.f32 $1.442695020e+00, v0  }
0xc7: {  	(erf) = vrcp.f32 v14  }
0xc8: {  	(erf) = vpow2.f32 v0;
	_ =	sdelay $0x3  }
0xc9: {  	v25 =	vld [tilespmem:$0x4F0];
	_ =	sdelay $0x3  }
0xca: {  	v14 =	vpop (erf)  }
0xcb: {  	v0 =	vsub.f32 $0.0e+00, v25;
	v26 =	vpop (erf)  }
0xcc: {  	v15 =	vadd.f32 $1.000000000e+00, v26  }
0xcd: {  	v0 =	vmul.f32 $1.442695020e+00, v0  }
0xce: {  	(erf) = vrcp.f32 v15  }
0xcf: {  	(erf) = vpow2.f32 v0;
	_ =	sdelay $0x6  }
0xd0: {  	[tilespmem:$0x400] =	vst v1  }
0xd1: {  	[tilespmem:$0x410] =	vst v2;
	v27 =	vpop (erf)  }
0xd2: {  	[tilespmem:$0x420] =	vst v3;
	v28 =	vpop (erf)  }
0xd3: {  	[tilespmem:$0x430] =	vst v4;
	v1 =	vadd.f32 $1.000000000e+00, v28  }
0xd4: {  	[tilespmem:$0x440] =	vst v5  }
0xd5: {  	[tilespmem:$0x450] =	vst v6;
	(erf) = vrcp.f32 v1  }
0xd6: {  	[tilespmem:$0x460] =	vst v7  }
0xd7: {  	[tilespmem:$0x470] =	vst v8  }
0xd8: {  	[tilespmem:$0x480] =	vst v9  }
0xd9: {  	[tilespmem:$0x490] =	vst v10  }
0xda: {  	[tilespmem:$0x4A0] =	vst v11  }
0xdb: {  	[tilespmem:$0x4B0] =	vst v12  }
0xdc: {  	[tilespmem:$0x4C0] =	vst v13  }
0xdd: {  	[tilespmem:$0x4D0] =	vst v14  }
0xde: {  	[tilespmem:$0x4E0] =	vst v27;
	v29 =	vpop (erf)  }
0xdf: {  	[tilespmem:$0x4F0] =	vst v29  }
0xe0: {  	_ =	swait.ge [sflag:s16], $0x100  }
0xe1: {  	[sflag:s16] =	ssyncset.done $0x0  }
0xe2: {  	[sflag:s16] =	ssyncadd.s32 $0xFFFFFF00  }
0xe3: {  	v30 =	vld [tilespmem:$0x500];
	_ =	sdelay $0x4  }
0xe4: {  	v0 =	vsub.f32 $0.0e+00, v30;
	_ =	sdelay $0x1  }
0xe5: {  	v0 =	vmul.f32 $1.442695020e+00, v0;
	_ =	sdelay $0x1  }
0xe6: {  	(erf) = vpow2.f32 v0;
	_ =	sdelay $0x3  }
0xe7: {  	v31 =	vld [tilespmem:$0x510];
	_ =	sdelay $0x4  }
0xe8: {  	v0 =	vsub.f32 $0.0e+00, v31;
	v32 =	vpop (erf)  }
0xe9: {  	v1 =	vadd.f32 $1.000000000e+00, v32  }
0xea: {  	v0 =	vmul.f32 $1.442695020e+00, v0  }
0xeb: {  	(erf) = vrcp.f32 v1  }
0xec: {  	(erf) = vpow2.f32 v0;
	_ =	sdelay $0x3  }
0xed: {  	v33 =	vld [tilespmem:$0x520];
	_ =	sdelay $0x3  }
0xee: {  	v1 =	vpop (erf)  }
0xef: {  	v0 =	vsub.f32 $0.0e+00, v33;
	v34 =	vpop (erf)  }
0xf0: {  	v2 =	vadd.f32 $1.000000000e+00, v34  }
0xf1: {  	v0 =	vmul.f32 $1.442695020e+00, v0  }
0xf2: {  	(erf) = vrcp.f32 v2  }
0xf3: {  	(erf) = vpow2.f32 v0;
	_ =	sdelay $0x3  }
0xf4: {  	v35 =	vld [tilespmem:$0x530];
	_ =	sdelay $0x3  }
0xf5: {  	v2 =	vpop (erf)  }
0xf6: {  	v0 =	vsub.f32 $0.0e+00, v35;
	v36 =	vpop (erf)  }
0xf7: {  	v3 =	vadd.f32 $1.000000000e+00, v36  }
0xf8: {  	v0 =	vmul.f32 $1.442695020e+00, v0  }
0xf9: {  	(erf) = vrcp.f32 v3  }
0xfa: {  	(erf) = vpow2.f32 v0;
	_ =	sdelay $0x3  }
0xfb: {  	v37 =	vld [tilespmem:$0x540];
	_ =	sdelay $0x3  }
0xfc: {  	v3 =	vpop (erf)  }
0xfd: {  	v0 =	vsub.f32 $0.0e+00, v37;
	v38 =	vpop (erf)  }
0xfe: {  	v4 =	vadd.f32 $1.000000000e+00, v38  }
0xff: {  	v0 =	vmul.f32 $1.442695020e+00, v0  }
0x100: {  	(erf) = vrcp.f32 v4  }
0x101: {  	(erf) = vpow2.f32 v0;
	_ =	sdelay $0x3  }
0x102: {  	v39 =	vld [tilespmem:$0x550];
	_ =	sdelay $0x3  }
0x103: {  	v4 =	vpop (erf)  }
0x104: {  	v0 =	vsub.f32 $0.0e+00, v39;
	v40 =	vpop (erf)  }
0x105: {  	v5 =	vadd.f32 $1.000000000e+00, v40  }
0x106: {  	v0 =	vmul.f32 $1.442695020e+00, v0  }
0x107: {  	(erf) = vrcp.f32 v5  }
0x108: {  	(erf) = vpow2.f32 v0;
	_ =	sdelay $0x3  }
0x109: {  	v41 =	vld [tilespmem:$0x560];
	_ =	sdelay $0x3  }
0x10a: {  	v5 =	vpop (erf)  }
0x10b: {  	v0 =	vsub.f32 $0.0e+00, v41;
	v42 =	vpop (erf)  }
0x10c: {  	v6 =	vadd.f32 $1.000000000e+00, v42  }
0x10d: {  	v0 =	vmul.f32 $1.442695020e+00, v0  }
0x10e: {  	(erf) = vrcp.f32 v6  }
0x10f: {  	(erf) = vpow2.f32 v0;
	_ =	sdelay $0x3  }
0x110: {  	v43 =	vld [tilespmem:$0x570];
	_ =	sdelay $0x3  }
0x111: {  	v6 =	vpop (erf)  }
0x112: {  	v0 =	vsub.f32 $0.0e+00, v43;
	v44 =	vpop (erf)  }
0x113: {  	v7 =	vadd.f32 $1.000000000e+00, v44  }
0x114: {  	v0 =	vmul.f32 $1.442695020e+00, v0  }
0x115: {  	(erf) = vrcp.f32 v7  }
0x116: {  	(erf) = vpow2.f32 v0;
	_ =	sdelay $0x3  }
0x117: {  	v45 =	vld [tilespmem:$0x580];
	_ =	sdelay $0x3  }
0x118: {  	v7 =	vpop (erf)  }
0x119: {  	v0 =	vsub.f32 $0.0e+00, v45;
	v46 =	vpop (erf)  }
0x11a: {  	v8 =	vadd.f32 $1.000000000e+00, v46  }
0x11b: {  	v0 =	vmul.f32 $1.442695020e+00, v0  }
0x11c: {  	(erf) = vrcp.f32 v8  }
0x11d: {  	(erf) = vpow2.f32 v0;
	_ =	sdelay $0x3  }
0x11e: {  	v47 =	vld [tilespmem:$0x590];
	_ =	sdelay $0x3  }
0x11f: {  	v8 =	vpop (erf)  }
0x120: {  	v0 =	vsub.f32 $0.0e+00, v47;
	v48 =	vpop (erf)  }
0x121: {  	v9 =	vadd.f32 $1.000000000e+00, v48  }
0x122: {  	v0 =	vmul.f32 $1.442695020e+00, v0  }
0x123: {  	(erf) = vrcp.f32 v9  }
0x124: {  	(erf) = vpow2.f32 v0;
	_ =	sdelay $0x3  }
0x125: {  	v49 =	vld [tilespmem:$0x5A0];
	_ =	sdelay $0x3  }
0x126: {  	v9 =	vpop (erf)  }
0x127: {  	v0 =	vsub.f32 $0.0e+00, v49;
	v50 =	vpop (erf)  }
0x128: {  	v10 =	vadd.f32 $1.000000000e+00, v50  }
0x129: {  	v0 =	vmul.f32 $1.442695020e+00, v0  }
0x12a: {  	(erf) = vrcp.f32 v10  }
0x12b: {  	(erf) = vpow2.f32 v0;
	_ =	sdelay $0x3  }
0x12c: {  	v51 =	vld [tilespmem:$0x5B0];
	_ =	sdelay $0x3  }
0x12d: {  	v10 =	vpop (erf)  }
0x12e: {  	v0 =	vsub.f32 $0.0e+00, v51;
	v52 =	vpop (erf)  }
0x12f: {  	v11 =	vadd.f32 $1.000000000e+00, v52  }
0x130: {  	v0 =	vmul.f32 $1.442695020e+00, v0  }
0x131: {  	(erf) = vrcp.f32 v11  }
0x132: {  	(erf) = vpow2.f32 v0;
	_ =	sdelay $0x3  }
0x133: {  	v53 =	vld [tilespmem:$0x5C0];
	_ =	sdelay $0x3  }
0x134: {  	v11 =	vpop (erf)  }
0x135: {  	v0 =	vsub.f32 $0.0e+00, v53;
	v54 =	vpop (erf)  }
0x136: {  	v12 =	vadd.f32 $1.000000000e+00, v54  }
0x137: {  	v0 =	vmul.f32 $1.442695020e+00, v0  }
0x138: {  	(erf) = vrcp.f32 v12  }
0x139: {  	(erf) = vpow2.f32 v0;
	_ =	sdelay $0x3  }
0x13a: {  	v55 =	vld [tilespmem:$0x5D0];
	_ =	sdelay $0x3  }
0x13b: {  	v12 =	vpop (erf)  }
0x13c: {  	v0 =	vsub.f32 $0.0e+00, v55;
	v56 =	vpop (erf)  }
0x13d: {  	v13 =	vadd.f32 $1.000000000e+00, v56  }
0x13e: {  	v0 =	vmul.f32 $1.442695020e+00, v0  }
0x13f: {  	(erf) = vrcp.f32 v13  }
0x140: {  	(erf) = vpow2.f32 v0;
	_ =	sdelay $0x3  }
0x141: {  	v57 =	vld [tilespmem:$0x5E0];
	_ =	sdelay $0x3  }
0x142: {  	v13 =	vpop (erf)  }
0x143: {  	v0 =	vsub.f32 $0.0e+00, v57;
	v58 =	vpop (erf)  }
0x144: {  	v14 =	vadd.f32 $1.000000000e+00, v58  }
0x145: {  	v0 =	vmul.f32 $1.442695020e+00, v0  }
0x146: {  	(erf) = vrcp.f32 v14  }
0x147: {  	(erf) = vpow2.f32 v0;
	_ =	sdelay $0x3  }
0x148: {  	v59 =	vld [tilespmem:$0x5F0];
	_ =	sdelay $0x3  }
0x149: {  	v14 =	vpop (erf)  }
0x14a: {  	v0 =	vsub.f32 $0.0e+00, v59;
	v60 =	vpop (erf)  }
0x14b: {  	v15 =	vadd.f32 $1.000000000e+00, v60  }
0x14c: {  	v0 =	vmul.f32 $1.442695020e+00, v0  }
0x14d: {  	(erf) = vrcp.f32 v15  }
0x14e: {  	(erf) = vpow2.f32 v0;
	_ =	sdelay $0x6  }
0x14f: {  	[tilespmem:$0x500] =	vst v1  }
0x150: {  	[tilespmem:$0x510] =	vst v2;
	v61 =	vpop (erf)  }
0x151: {  	[tilespmem:$0x520] =	vst v3;
	v62 =	vpop (erf)  }
0x152: {  	[tilespmem:$0x530] =	vst v4;
	v1 =	vadd.f32 $1.000000000e+00, v62  }
0x153: {  	[tilespmem:$0x540] =	vst v5  }
0x154: {  	[tilespmem:$0x550] =	vst v6;
	(erf) = vrcp.f32 v1  }
0x155: {  	[tilespmem:$0x560] =	vst v7  }
0x156: {  	[tilespmem:$0x570] =	vst v8  }
0x157: {  	[tilespmem:$0x580] =	vst v9  }
0x158: {  	[tilespmem:$0x590] =	vst v10  }
0x159: {  	[tilespmem:$0x5A0] =	vst v11  }
0x15a: {  	[tilespmem:$0x5B0] =	vst v12  }
0x15b: {  	[tilespmem:$0x5C0] =	vst v13  }
0x15c: {  	[tilespmem:$0x5D0] =	vst v14  }
0x15d: {  	p0 =	sne.s32 s7, $0x1;
	[tilespmem:$0x5E0] =	vst v61;
	v63 =	vpop (erf)  }
.Ltmp0:
0x15e: {  	[tilespmem:$0x5F0] =	vst v63;
	(pc) =	sbr.rel @p0 .LBB2_1-.Ltmp0, $4  }
0x15f: {  	[hbm4b:s6+s2] =	stream.linear.scatter [tilespmem:s12], [sflag:$0x5], $0x200, $0x38;
	[tilespmem:$0x600] =	vst v63  }
0x160: {  	_ =	swait.ge [sflag:s17], $0x200  }
0x161: {  	[sflag:s17] =	ssyncset.done $0x0  }
0x162: {  	s7 =	sadd.s32 $0xFFFFFFFF, s7;
	[sflag:s17] =	ssyncadd.s32 $0xFFFFFE00  }
0x163: {  	_ =	sfence.sel $0x180000  }
0x164: {  	[bflag:$0x0] =	sbarrier.arrive $0xFFFF  }
0x165: {  	p0 =	sne.s32 s1, $0x0;
	_ =	strace $0x90000047  }
0x166: {  	s0 =	sadd.s32 @!p0 $0x100000, s0;
	[bflag:$0x2] =	sbarrier.arrive $0xFFFF  }
0x167: {  	[sflag:s0] =	ssyncadd.tile.s32 @!p0 $0x1;
	_ =	shalt  }
.Lfunc_end2:
_tile_overlayer_lowered:
.L_overlay_start_2:
0x168: {  	(tag) =	ssettag $0x2  }
0x169: {  	s0 =	rddreg [dreg:$0x0];
	s2 =	stileid.u32  }
0x16a: {  	s1 =	rddreg [dreg:$0x1];
	p0 =	sne.s32 s2, $0x0  }
0x16b: {  	s3 =	rddreg [dreg:$0x2];
	[bflag:$0x3] =	sbarrier.arrive $0xFFFF;
	s2 =	simm.s32 @!p0 $0x1C06  }
0x16c: {  	[timem:s3], [sflag:s2] =	dma.local @!p0 [hbm:s0], s1  }
0x16d: {  	s0 =	simm.s32 @!p0 $0x6  }
0x16e: {  	_ =	swait.ge @!p0 [sflag:s0], s1  }
0x16f: {  	s1 =	ssub.s32 @!p0 $0x0, s1;
	[sflag:s0] =	ssyncset.done @!p0 $0x0  }
0x170: {  	[sflag:s0] =	ssyncadd.s32 @!p0 s1  }
0x171: {  	[bflag:$0x3] =	sbarrier.arrive $0xFFFF  }
0x172: {  	_ =	shalt  }

</sc_bundles>
